<compile_context>
chip_gen: v7x
topology: tpu7x:2x2x1
jax: 0.10.2.dev20260603
libtpu: 0.0.44.dev20260713+nightly
codegen_flags: <defaults>
</compile_context>

<pallas_src>
import functools

import jax
import jax.numpy as jnp
from jax import lax
from jax.experimental import pallas as pl
from jax.experimental.pallas import tpu as pltpu
from jax.experimental.pallas import tpu_sc as plsc

N = 10000
E = 320000
NG = 10000
EMB = 128
ED = 16
PD = 64
OD = 64

NC = 2
NS = 16
NW = NC * NS
EPW = E // NW
C = 80
NCH = EPW // C
NPAD = 10240
RPT = NPAD // NS
C2 = 1000
NCH2 = EPW // C2

_f32 = jnp.float32


def _emb_body(x_ref, we_ref, be_ref, wmx_ref, weh_ref, hm_ref, hh_ref):
    h = jnp.dot(x_ref[...], we_ref[...], preferred_element_type=_f32)
    h = h + be_ref[...]
    hm_ref[...] = jnp.dot(h, wmx_ref[...], preferred_element_type=_f32)
    hh_ref[...] = jnp.dot(h, weh_ref[...], preferred_element_type=_f32)


def _run_emb(x, W_emb, b_emb, Wm_x, We_h):
    BN = 400
    grid = (N // BN,)
    return pl.pallas_call(
        _emb_body,
        grid=grid,
        in_specs=[
            pl.BlockSpec((BN, NG), lambda i: (i, 0)),
            pl.BlockSpec((NG, EMB), lambda i: (0, 0)),
            pl.BlockSpec((1, EMB), lambda i: (0, 0)),
            pl.BlockSpec((EMB, PD), lambda i: (0, 0)),
            pl.BlockSpec((EMB, EMB), lambda i: (0, 0)),
        ],
        out_specs=[
            pl.BlockSpec((BN, PD), lambda i: (i, 0)),
            pl.BlockSpec((BN, EMB), lambda i: (i, 0)),
        ],
        out_shape=[
            jax.ShapeDtypeStruct((N, PD), _f32),
            jax.ShapeDtypeStruct((N, EMB), _f32),
        ],
        compiler_params=pltpu.CompilerParams(
            dimension_semantics=("parallel",),
        ),
    )(x, W_emb, b_emb.reshape(1, EMB), Wm_x, We_h)


def _edgefeat_body(ea_ref, src_ref, wme_ref, bm_ref, wpe_ref,
                   em_ref, ep_ref, mx_ref):
    i = pl.program_id(0)
    em_ref[...] = (jnp.dot(ea_ref[...], wme_ref[...],
                           preferred_element_type=_f32) + bm_ref[...])
    ep_ref[...] = jnp.dot(ea_ref[...], wpe_ref[...],
                          preferred_element_type=_f32)

    @pl.when(i == 0)
    def _():
        mx_ref[0, 0] = jnp.int32(0)

    mx_ref[0, 0] = jnp.maximum(mx_ref[0, 0], jnp.max(src_ref[...]))


def _run_edgefeat(edge_attr, src2d, Wm_e, bm, Wp_e):
    BE = 4000
    grid = (E // BE,)
    return pl.pallas_call(
        _edgefeat_body,
        grid=grid,
        in_specs=[
            pl.BlockSpec((BE, ED), lambda i: (i, 0)),
            pl.BlockSpec((1, 1, BE), lambda i: (i, 0, 0)),
            pl.BlockSpec((ED, PD), lambda i: (0, 0)),
            pl.BlockSpec((1, PD), lambda i: (0, 0)),
            pl.BlockSpec((ED, 1), lambda i: (0, 0)),
        ],
        out_specs=[
            pl.BlockSpec((BE, PD), lambda i: (i, 0)),
            pl.BlockSpec((BE, 1), lambda i: (i, 0)),
            pl.BlockSpec((1, 1), lambda i: (0, 0),
                         memory_space=pltpu.SMEM),
        ],
        out_shape=[
            jax.ShapeDtypeStruct((E, PD), _f32),
            jax.ShapeDtypeStruct((E, 1), _f32),
            jax.ShapeDtypeStruct((1, 1), jnp.int32),
        ],
        compiler_params=pltpu.CompilerParams(
            dimension_semantics=("arbitrary",),
        ),
    )(edge_attr, src2d, Wm_e, bm.reshape(1, PD), Wp_e)


def _aggr_body(hm_hbm, em_hbm, src_hbm, dst_hbm, off_hbm, p_hbm, out_hbm,
               acc_sh, src_v, dst_v, pidx_v, off_v,
               hm_v, em_v, prow_v, msg_v, sem1, sem2, sem3):
    c = lax.axis_index("c")
    s = lax.axis_index("s")
    wid = s * NC + c

    def zrow(r, _):
        for g in range(PD // 16):
            msg_v[r, pl.ds(g * 16, 16)] = jnp.zeros((16,), _f32)
        return 0

    lax.fori_loop(0, C, zrow, 0)

    def zcopy(j, _):
        pltpu.sync_copy(msg_v, acc_sh.at[pl.ds(s * RPT + j * C, C)])
        return 0

    lax.fori_loop(0, RPT // C, zcopy, 0)
    plsc.subcore_barrier()

    pltpu.sync_copy(off_hbm, off_v)
    offv = off_v[...]
    ebase = wid * EPW

    def chunk(i, _):
        base = ebase + i * C
        pltpu.sync_copy(src_hbm.at[pl.ds(base, C)], src_v)
        pltpu.sync_copy(dst_hbm.at[pl.ds(base, C)], dst_v)
        cp_em = pltpu.async_copy(em_hbm.at[pl.ds(base, C)], em_v, sem2)
        cp_hm = pltpu.async_copy(hm_hbm.at[src_v], hm_v, sem1)
        for g in range(C // 16):
            pidx_v[pl.ds(g * 16, 16)] = src_v[pl.ds(g * 16, 16)] - offv
        cp_p = pltpu.async_copy(p_hbm.at[pidx_v], prow_v, sem3)
        cp_em.wait()
        cp_hm.wait()
        cp_p.wait()

        def row(r, _):
            for g in range(PD // 16):
                m = hm_v[r, pl.ds(g * 16, 16)] + em_v[r, pl.ds(g * 16, 16)]
                m = jnp.maximum(m, 0.0) * prow_v[r, pl.ds(g * 16, 16)]
                msg_v[r, pl.ds(g * 16, 16)] = m
            return 0

        lax.fori_loop(0, C, row, 0)
        pltpu.sync_copy(msg_v, acc_sh.at[dst_v], add=True)
        return 0

    lax.fori_loop(0, NCH, chunk, 0)
    plsc.subcore_barrier()
    pltpu.sync_copy(acc_sh.at[pl.ds(s * RPT, RPT)],
                    out_hbm.at[c, pl.ds(s * RPT, RPT)])


def _run_aggr(hm, em, src, dst, off16, P):
    mesh = plsc.VectorSubcoreMesh(core_axis_name="c", subcore_axis_name="s")
    k = functools.partial(
        pl.kernel,
        mesh=mesh,
        out_type=jax.ShapeDtypeStruct((NC, NPAD, PD), _f32),
        scratch_types=[
            pltpu.VMEM_SHARED((NPAD, PD), _f32),
            pltpu.VMEM((C,), jnp.int32),
            pltpu.VMEM((C,), jnp.int32),
            pltpu.VMEM((C,), jnp.int32),
            pltpu.VMEM((16,), jnp.int32),
            pltpu.VMEM((C, PD), _f32),
            pltpu.VMEM((C, PD), _f32),
            pltpu.VMEM((C, PD), _f32),
            pltpu.VMEM((C, PD), _f32),
            pltpu.SemaphoreType.DMA,
            pltpu.SemaphoreType.DMA,
            pltpu.SemaphoreType.DMA,
        ],
        compiler_params=pltpu.CompilerParams(use_tc_tiling_on_sc=False),
    )(_aggr_body)
    return k(hm, em, src, dst, off16, P)


def _update_body(parts_ref, hh_ref, wea_ref, be_ref, wn_ref, bn_ref, wp_ref,
                 np_ref, hp_ref):
    aggr = parts_ref[0] + parts_ref[1]
    h2 = jnp.dot(aggr, wea_ref[...], preferred_element_type=_f32)
    h2 = jnp.maximum(h2 + hh_ref[...] + be_ref[...], 0.0)
    np_ref[...] = jnp.dot(h2, wn_ref[...], preferred_element_type=_f32) + bn_ref[...]
    hp_ref[...] = jnp.dot(h2, wp_ref[...], preferred_element_type=_f32)


def _run_update(parts, hh, We_a, be, Wn, bn, Wp12):
    BN = 400
    grid = (N // BN,)
    return pl.pallas_call(
        _update_body,
        grid=grid,
        in_specs=[
            pl.BlockSpec((NC, BN, PD), lambda i: (0, i, 0)),
            pl.BlockSpec((BN, EMB), lambda i: (i, 0)),
            pl.BlockSpec((PD, EMB), lambda i: (0, 0)),
            pl.BlockSpec((1, EMB), lambda i: (0, 0)),
            pl.BlockSpec((EMB, OD), lambda i: (0, 0)),
            pl.BlockSpec((1, OD), lambda i: (0, 0)),
            pl.BlockSpec((EMB, 2), lambda i: (0, 0)),
        ],
        out_specs=[
            pl.BlockSpec((BN, OD), lambda i: (i, 0)),
            pl.BlockSpec((BN, 2), lambda i: (i, 0)),
        ],
        out_shape=[
            jax.ShapeDtypeStruct((N, OD), _f32),
            jax.ShapeDtypeStruct((N, 2), _f32),
        ],
        compiler_params=pltpu.CompilerParams(
            dimension_semantics=("parallel",),
        ),
    )(parts, hh, We_a, be.reshape(1, EMB), Wn, bn.reshape(1, OD), Wp12)


def _epred_body(hp1_hbm, hp2_hbm, src_hbm, dst_hbm, ep_hbm, bp_hbm, out_hbm,
                src_v, dst_v, ep_v, a_v, b_v, o_v, bp_v, sem1, sem2, sem3):
    c = lax.axis_index("c")
    s = lax.axis_index("s")
    wid = s * NC + c
    pltpu.sync_copy(bp_hbm, bp_v)
    bpv = bp_v[...]
    ebase = wid * EPW

    def chunk(i, _):
        base = ebase + i * C
        pltpu.sync_copy(src_hbm.at[pl.ds(base, C)], src_v)
        pltpu.sync_copy(dst_hbm.at[pl.ds(base, C)], dst_v)
        cp_e = pltpu.async_copy(ep_hbm.at[pl.ds(base, C)], ep_v, sem3)
        cp_a = pltpu.async_copy(hp1_hbm.at[src_v], a_v, sem1)
        cp_b = pltpu.async_copy(hp2_hbm.at[dst_v], b_v, sem2)
        cp_e.wait()
        cp_a.wait()
        cp_b.wait()
        for g in range(C // 16):
            o_v[pl.ds(g * 16, 16)] = (a_v[pl.ds(g * 16, 16)]
                                      + b_v[pl.ds(g * 16, 16)]
                                      + ep_v[pl.ds(g * 16, 16)] + bpv)
        pltpu.sync_copy(o_v, out_hbm.at[pl.ds(base, C)])
        return 0

    lax.fori_loop(0, NCH, chunk, 0)


def _run_epred(hp1, hp2, src, dst, ep, bp16):
    mesh = plsc.VectorSubcoreMesh(core_axis_name="c", subcore_axis_name="s")
    k = functools.partial(
        pl.kernel,
        mesh=mesh,
        out_type=jax.ShapeDtypeStruct((E,), _f32),
        scratch_types=[
            pltpu.VMEM((C,), jnp.int32),
            pltpu.VMEM((C,), jnp.int32),
            pltpu.VMEM((C,), _f32),
            pltpu.VMEM((C,), _f32),
            pltpu.VMEM((C,), _f32),
            pltpu.VMEM((C,), _f32),
            pltpu.VMEM((16,), _f32),
            pltpu.SemaphoreType.DMA,
            pltpu.SemaphoreType.DMA,
            pltpu.SemaphoreType.DMA,
        ],
        compiler_params=pltpu.CompilerParams(use_tc_tiling_on_sc=False),
    )(_epred_body)
    return k(hp1, hp2, src, dst, ep, bp16)


def kernel(x, edge_attr, edge_index, W_emb, b_emb, Wm, bm, P, We, be,
           Wn, bn, Wp, bp):
    src = edge_index[0]
    dst = edge_index[1]
    Wm_x, Wm_e = Wm[:EMB], Wm[EMB:]
    We_a, We_h = We[:PD], We[PD:]
    Wp12 = jnp.concatenate([Wp[:EMB], Wp[EMB:2 * EMB]], axis=1)
    Wp_e = Wp[2 * EMB:]

    em, ep, mx = _run_edgefeat(edge_attr, src.reshape(E // 4000, 1, 4000),
                               Wm_e, bm, Wp_e)
    hm, hh = _run_emb(x, W_emb, b_emb, Wm_x, We_h)

    off16 = jnp.broadcast_to(mx[0, 0] - jnp.int32(NG - 1), (16,))
    parts = _run_aggr(hm, em, src, dst, off16, P)

    node_pred, hp = _run_update(parts, hh, We_a, be, Wn, bn, Wp12)

    bp16 = jnp.broadcast_to(bp[0], (16,))
    edge_pred = _run_epred(hp[:, 0], hp[:, 1], src, dst, ep[:, 0], bp16)
    return node_pred, edge_pred[:, None]

# --- scband reference (transcript-rebuilt; emitter-appended) ---
"""Pipeline reference for scband-ogre-module-79680233276196 (READ-ONLY COPY).

The authoritative reference and input builder live on the scoring server;
editing this copy changes nothing except your own understanding.
"""

import jax, jax.numpy as jnp
import numpy as np

N = 10000        # n_nodes
E = 320000       # n_edges
N_GENES = 10000  # input feature dim of x and rows of P
EMB = 128        # emb_dim
EDGE_DIM = 16
P_DIM = 64       # P.shape[1]
OUT_DIM = 64


def setup_inputs(seed: int = 0) -> dict:
    key = jax.random.key(seed)
    ks = jax.random.split(key, 14)
    x = jax.random.normal(ks[0], (N, N_GENES), dtype=jnp.float32)
    edge_attr = jax.random.normal(ks[1], (E, EDGE_DIM), dtype=jnp.float32)
    edge_index = jax.random.randint(ks[2], (2, E), 0, N, dtype=jnp.int32)
    s = 0.02
    W_emb = jax.random.normal(ks[3], (N_GENES, EMB), dtype=jnp.float32) * s
    b_emb = jnp.zeros((EMB,), dtype=jnp.float32)
    Wm = jax.random.normal(ks[4], (EMB + EDGE_DIM, P_DIM), dtype=jnp.float32) * s
    bm = jnp.zeros((P_DIM,), dtype=jnp.float32)
    P = jax.random.normal(ks[5], (N_GENES, P_DIM), dtype=jnp.float32)
    We = jax.random.normal(ks[6], (P_DIM + EMB, EMB), dtype=jnp.float32) * s
    be = jnp.zeros((EMB,), dtype=jnp.float32)
    Wn = jax.random.normal(ks[7], (EMB, OUT_DIM), dtype=jnp.float32) * s
    bn = jnp.zeros((OUT_DIM,), dtype=jnp.float32)
    Wp = jax.random.normal(ks[8], (2 * EMB + EDGE_DIM, 1), dtype=jnp.float32) * s
    bp = jnp.zeros((1,), dtype=jnp.float32)
    return {
        "x": x, "edge_attr": edge_attr, "edge_index": edge_index,
        "W_emb": W_emb, "b_emb": b_emb,
        "Wm": Wm, "bm": bm, "P": P, "We": We, "be": be,
        "Wn": Wn, "bn": bn, "Wp": Wp, "bp": bp,
    }


def reference(x, edge_attr, edge_index, W_emb, b_emb, Wm, bm, P, We, be, Wn, bn, Wp, bp):
    # x = self.emb(x)
    h = x @ W_emb + b_emb  # [N, EMB]
    src = edge_index[0]
    dst = edge_index[1]
    # NOTE: zip(convs, edge_update_fns[1:]) runs only n_layers-1 = 1 conv layer.
    # --- OgreLayer (conv0) ---
    x_j = jnp.take(h, src, axis=0)                       # [E, EMB] (PyG x_j = x[edge_index[0]])
    msg = jnp.concatenate([x_j, edge_attr], axis=-1)     # [E, EMB+EDGE_DIM]
    msg = jax.nn.relu(msg @ Wm + bm)                     # [E, P_DIM]
    idx = src - (jnp.max(src) - (N_GENES - 1))           # gene indices into P
    msg = msg * jnp.take(P, idx, axis=0)                 # [E, P_DIM]
    aggr = jax.ops.segment_sum(msg, dst, num_segments=N) # sum-aggregate at target nodes
    h = jax.nn.relu(jnp.concatenate([aggr, h], axis=-1) @ We + be)  # update -> [N, EMB]
    # node prediction
    node_pred = h @ Wn + bn  # [N, OUT_DIM]
    # edge prediction
    x_i = jnp.take(h, src, axis=0)
    x_j2 = jnp.take(h, dst, axis=0)
    ef = jnp.concatenate([x_i, x_j2, edge_attr], axis=-1)  # [E, 2*EMB+EDGE_DIM]
    edge_pred = ef @ Wp + bp  # [E, 1]
    return (node_pred, edge_pred)

if __name__ == "__main__":
    import jax
    _d = setup_inputs()
    print(jax.jit(kernel)(*tuple(_d.values())))

</pallas_src>

<mosaic_0001>
#map = affine_map<(d0, d1) -> (0)>
module attributes {stable_mosaic.version = 14 : i64} {
  func.func @_epred_body(%arg0: i32, %arg1: i32, %arg2: memref<10000xf32, #tpu.memory_space<hbm>>, %arg3: memref<10000xf32, #tpu.memory_space<hbm>>, %arg4: memref<320000xi32, #tpu.memory_space<hbm>>, %arg5: memref<320000xi32, #tpu.memory_space<hbm>>, %arg6: memref<320000xf32, #tpu.memory_space<hbm>>, %arg7: memref<16xf32, #tpu.memory_space<hbm>>, %arg8: memref<320000xf32, #tpu.memory_space<hbm>>, %arg9: memref<80xi32, #tpu.memory_space<vmem>>, %arg10: memref<80xi32, #tpu.memory_space<vmem>>, %arg11: memref<80xf32, #tpu.memory_space<vmem>>, %arg12: memref<80xf32, #tpu.memory_space<vmem>>, %arg13: memref<80xf32, #tpu.memory_space<vmem>>, %arg14: memref<80xf32, #tpu.memory_space<vmem>>, %arg15: memref<16xf32, #tpu.memory_space<vmem>>, %arg16: memref<!tpu.dma_semaphore, #tpu.memory_space<semaphore_mem>>, %arg17: memref<!tpu.dma_semaphore, #tpu.memory_space<semaphore_mem>>, %arg18: memref<!tpu.dma_semaphore, #tpu.memory_space<semaphore_mem>>) attributes {dimension_semantics = [#tpu.dimension_semantics<core_parallel>, #tpu.dimension_semantics<subcore_parallel>], iteration_bounds = array<i64: 2, 16>, scalar_prefetch = 0 : i64, scratch_operands = 10 : i64, tpu.core_type = #tpu.core_type<sc_vector_subcore>, window_params = [{transform_indices = #map}, {transform_indices = #map}, {transform_indices = #map}, {transform_indices = #map}, {transform_indices = #map}, {transform_indices = #map}, {transform_indices = #map}]} {
    %mul3A = arith.constant 2 : i32
    %mul3A_0 = arith.muli %arg1, %mul3A : i32
    %add3A = arith.addi %mul3A_0, %arg0 : i32
    "tpu.region"() ({
      %run_scoped3A = tpu.sem_alloc : memref<!tpu.dma_semaphore, #tpu.memory_space<semaphore_mem>>
      tpu.enqueue_dma source(%arg7 : memref<16xf32, #tpu.memory_space<hbm>>) target(%arg15 : memref<16xf32, #tpu.memory_space<vmem>>) target_semaphore(%run_scoped3A : memref<!tpu.dma_semaphore, #tpu.memory_space<semaphore_mem>>)
      tpu.wait_dma2 semaphore(%run_scoped3A : memref<!tpu.dma_semaphore, #tpu.memory_space<semaphore_mem>>) src(%arg7 : memref<16xf32, #tpu.memory_space<hbm>>) dst(%arg15 : memref<16xf32, #tpu.memory_space<vmem>>)
      tpu.yield
    }) : () -> ()
    %get3A = arith.constant 0 : index
    %get3A_1 = tpu.vector_load %arg15[%get3A] {strides = array<i32>} : memref<16xf32, #tpu.memory_space<vmem>>, vector<16xf32>,
    %get3A_2 = vector.shape_cast %get3A_1 : vector<16xf32> to vector<16xf32>
    %mul3A_3 = arith.constant 10000 : i32
    %mul3A_4 = arith.muli %add3A, %mul3A_3 : i32
    %scan3A = arith.constant 0 : i32
    %scan3A_5 = arith.constant 0 : i32
    %scan3A_6 = arith.constant 125 : i32
    %scan3A_7 = arith.addi %scan3A_5, %scan3A_6 : i32
    %scan3A_8 = arith.constant 1 : i32
    %scan3A_9 = scf.for %scan3A_11 = %scan3A_5 to %scan3A_7 step %scan3A_8 iter_args(%scan3A_12 = %scan3A) -> (i32)  : i32 {
      %mul3A_13 = arith.constant 80 : i32
      %mul3A_14 = arith.muli %scan3A_11, %mul3A_13 : i32
      %add3A_15 = arith.addi %mul3A_4, %mul3A_14 : i32
      "tpu.region"() ({
        %run_scoped3A = tpu.sem_alloc : memref<!tpu.dma_semaphore, #tpu.memory_space<semaphore_mem>>
        %dma_start3A_106 = tpu.memref_slice %arg4[%add3A_15] : memref<320000xi32, #tpu.memory_space<hbm>> -> memref<80xi32, #tpu.memory_space<hbm>>
        %dma_start3A_107 = tpu.memref_slice %arg4[%add3A_15] : memref<320000xi32, #tpu.memory_space<hbm>> -> memref<80xi32, #tpu.memory_space<hbm>>
        tpu.enqueue_dma source(%dma_start3A_107 : memref<80xi32, #tpu.memory_space<hbm>>) target(%arg9 : memref<80xi32, #tpu.memory_space<vmem>>) target_semaphore(%run_scoped3A : memref<!tpu.dma_semaphore, #tpu.memory_space<semaphore_mem>>)
        %dma_wait3A_108 = tpu.memref_slice %arg4[%add3A_15] : memref<320000xi32, #tpu.memory_space<hbm>> -> memref<80xi32, #tpu.memory_space<hbm>>
        %dma_wait3A_109 = tpu.memref_slice %arg4[%add3A_15] : memref<320000xi32, #tpu.memory_space<hbm>> -> memref<80xi32, #tpu.memory_space<hbm>>
        tpu.wait_dma2 semaphore(%run_scoped3A : memref<!tpu.dma_semaphore, #tpu.memory_space<semaphore_mem>>) src(%dma_wait3A_109 : memref<80xi32, #tpu.memory_space<hbm>>) dst(%arg9 : memref<80xi32, #tpu.memory_space<vmem>>)
        tpu.yield
      }) : () -> ()
      "tpu.region"() ({
        %run_scoped3A = tpu.sem_alloc : memref<!tpu.dma_semaphore, #tpu.memory_space<semaphore_mem>>
        %dma_start3A_106 = tpu.memref_slice %arg5[%add3A_15] : memref<320000xi32, #tpu.memory_space<hbm>> -> memref<80xi32, #tpu.memory_space<hbm>>
        %dma_start3A_107 = tpu.memref_slice %arg5[%add3A_15] : memref<320000xi32, #tpu.memory_space<hbm>> -> memref<80xi32, #tpu.memory_space<hbm>>
        tpu.enqueue_dma source(%dma_start3A_107 : memref<80xi32, #tpu.memory_space<hbm>>) target(%arg10 : memref<80xi32, #tpu.memory_space<vmem>>) target_semaphore(%run_scoped3A : memref<!tpu.dma_semaphore, #tpu.memory_space<semaphore_mem>>)
        %dma_wait3A_108 = tpu.memref_slice %arg5[%add3A_15] : memref<320000xi32, #tpu.memory_space<hbm>> -> memref<80xi32, #tpu.memory_space<hbm>>
        %dma_wait3A_109 = tpu.memref_slice %arg5[%add3A_15] : memref<320000xi32, #tpu.memory_space<hbm>> -> memref<80xi32, #tpu.memory_space<hbm>>
        tpu.wait_dma2 semaphore(%run_scoped3A : memref<!tpu.dma_semaphore, #tpu.memory_space<semaphore_mem>>) src(%dma_wait3A_109 : memref<80xi32, #tpu.memory_space<hbm>>) dst(%arg10 : memref<80xi32, #tpu.memory_space<vmem>>)
        tpu.yield
      }) : () -> ()
      %dma_start3A = tpu.memref_slice %arg6[%add3A_15] : memref<320000xf32, #tpu.memory_space<hbm>> -> memref<80xf32, #tpu.memory_space<hbm>>
      %dma_start3A_16 = tpu.memref_slice %arg6[%add3A_15] : memref<320000xf32, #tpu.memory_space<hbm>> -> memref<80xf32, #tpu.memory_space<hbm>>
      tpu.enqueue_dma source(%dma_start3A_16 : memref<80xf32, #tpu.memory_space<hbm>>) target(%arg11 : memref<80xf32, #tpu.memory_space<vmem>>) target_semaphore(%arg18 : memref<!tpu.dma_semaphore, #tpu.memory_space<semaphore_mem>>)
      %dma_start3A_17 = arith.constant 0 : i32
      %dma_start3A_18 = tpu.memref_slice %arg2[%dma_start3A_17] : memref<10000xf32, #tpu.memory_space<hbm>> -> memref<10000xf32, #tpu.memory_space<hbm>>
      tpu.enqueue_indirect_dma source(%dma_start3A_18 : memref<10000xf32, #tpu.memory_space<hbm>>) target(%arg12 : memref<80xf32, #tpu.memory_space<vmem>>) offsets(%arg9 : memref<80xi32, #tpu.memory_space<vmem>>) semaphore(%arg16 : memref<!tpu.dma_semaphore, #tpu.memory_space<semaphore_mem>>)
      %dma_start3A_19 = arith.constant 0 : i32
      %dma_start3A_20 = tpu.memref_slice %arg3[%dma_start3A_19] : memref<10000xf32, #tpu.memory_space<hbm>> -> memref<10000xf32, #tpu.memory_space<hbm>>
      tpu.enqueue_indirect_dma source(%dma_start3A_20 : memref<10000xf32, #tpu.memory_space<hbm>>) target(%arg13 : memref<80xf32, #tpu.memory_space<vmem>>) offsets(%arg10 : memref<80xi32, #tpu.memory_space<vmem>>) semaphore(%arg17 : memref<!tpu.dma_semaphore, #tpu.memory_space<semaphore_mem>>)
      %dma_wait3A = tpu.memref_slice %arg6[%add3A_15] : memref<320000xf32, #tpu.memory_space<hbm>> -> memref<80xf32, #tpu.memory_space<hbm>>
      %dma_wait3A_21 = tpu.memref_slice %arg6[%add3A_15] : memref<320000xf32, #tpu.memory_space<hbm>> -> memref<80xf32, #tpu.memory_space<hbm>>
      tpu.wait_dma2 semaphore(%arg18 : memref<!tpu.dma_semaphore, #tpu.memory_space<semaphore_mem>>) src(%dma_wait3A_21 : memref<80xf32, #tpu.memory_space<hbm>>) dst(%arg11 : memref<80xf32, #tpu.memory_space<vmem>>)
      %dma_wait3A_22 = arith.constant 0 : i32
      %dma_wait3A_23 = tpu.memref_slice %arg2[%dma_wait3A_22] : memref<10000xf32, #tpu.memory_space<hbm>> -> memref<10000xf32, #tpu.memory_space<hbm>>
      tpu.wait_indirect_dma semaphore(%arg16 : memref<!tpu.dma_semaphore, #tpu.memory_space<semaphore_mem>>) src(%dma_wait3A_23 : memref<10000xf32, #tpu.memory_space<hbm>>) dst(%arg12 : memref<80xf32, #tpu.memory_space<vmem>>)
      %dma_wait3A_24 = arith.constant 0 : i32
      %dma_wait3A_25 = tpu.memref_slice %arg3[%dma_wait3A_24] : memref<10000xf32, #tpu.memory_space<hbm>> -> memref<10000xf32, #tpu.memory_space<hbm>>
      tpu.wait_indirect_dma semaphore(%arg17 : memref<!tpu.dma_semaphore, #tpu.memory_space<semaphore_mem>>) src(%dma_wait3A_25 : memref<10000xf32, #tpu.memory_space<hbm>>) dst(%arg13 : memref<80xf32, #tpu.memory_space<vmem>>)
      %get3A_26 = arith.constant 0 : index
      %get3A_27 = tpu.vector_load %arg12[%get3A_26] {strides = array<i32>} : memref<80xf32, #tpu.memory_space<vmem>>, vector<16xf32>,
      %get3A_28 = vector.shape_cast %get3A_27 : vector<16xf32> to vector<16xf32>
      %get3A_29 = arith.constant 0 : index
      %get3A_30 = tpu.vector_load %arg13[%get3A_29] {strides = array<i32>} : memref<80xf32, #tpu.memory_space<vmem>>, vector<16xf32>,
      %get3A_31 = vector.shape_cast %get3A_30 : vector<16xf32> to vector<16xf32>
      %add3A_32 = arith.addf %get3A_28, %get3A_31 : vector<16xf32>
      %get3A_33 = arith.constant 0 : index
      %get3A_34 = tpu.vector_load %arg11[%get3A_33] {strides = array<i32>} : memref<80xf32, #tpu.memory_space<vmem>>, vector<16xf32>,
      %get3A_35 = vector.shape_cast %get3A_34 : vector<16xf32> to vector<16xf32>
      %add3A_36 = arith.addf %add3A_32, %get3A_35 : vector<16xf32>
      %add3A_37 = arith.addf %add3A_36, %get3A_2 : vector<16xf32>
      %swap3A = arith.constant 0 : index
      %swap3A_38 = tpu.vector_load %arg14[%swap3A] {strides = array<i32>} : memref<80xf32, #tpu.memory_space<vmem>>, vector<16xf32>,
      %swap3A_39 = vector.shape_cast %swap3A_38 : vector<16xf32> to vector<16xf32>
      %swap3A_40 = vector.shape_cast %add3A_37 : vector<16xf32> to vector<16xf32>
      tpu.vector_store %arg14[%swap3A], %swap3A_40 {strides = array<i32>} : memref<80xf32, #tpu.memory_space<vmem>>, vector<16xf32>,
      %get3A_41 = arith.constant 16 : index
      %get3A_42 = tpu.vector_load %arg12[%get3A_41] {strides = array<i32>} : memref<80xf32, #tpu.memory_space<vmem>>, vector<16xf32>,
      %get3A_43 = vector.shape_cast %get3A_42 : vector<16xf32> to vector<16xf32>
      %get3A_44 = arith.constant 16 : index
      %get3A_45 = tpu.vector_load %arg13[%get3A_44] {strides = array<i32>} : memref<80xf32, #tpu.memory_space<vmem>>, vector<16xf32>,
      %get3A_46 = vector.shape_cast %get3A_45 : vector<16xf32> to vector<16xf32>
      %add3A_47 = arith.addf %get3A_43, %get3A_46 : vector<16xf32>
      %get3A_48 = arith.constant 16 : index
      %get3A_49 = tpu.vector_load %arg11[%get3A_48] {strides = array<i32>} : memref<80xf32, #tpu.memory_space<vmem>>, vector<16xf32>,
      %get3A_50 = vector.shape_cast %get3A_49 : vector<16xf32> to vector<16xf32>
      %add3A_51 = arith.addf %add3A_47, %get3A_50 : vector<16xf32>
      %add3A_52 = arith.addf %add3A_51, %get3A_2 : vector<16xf32>
      %swap3A_53 = arith.constant 16 : index
      %swap3A_54 = tpu.vector_load %arg14[%swap3A_53] {strides = array<i32>} : memref<80xf32, #tpu.memory_space<vmem>>, vector<16xf32>,
      %swap3A_55 = vector.shape_cast %swap3A_54 : vector<16xf32> to vector<16xf32>
      %swap3A_56 = vector.shape_cast %add3A_52 : vector<16xf32> to vector<16xf32>
      tpu.vector_store %arg14[%swap3A_53], %swap3A_56 {strides = array<i32>} : memref<80xf32, #tpu.memory_space<vmem>>, vector<16xf32>,
      %get3A_57 = arith.constant 32 : index
      %get3A_58 = tpu.vector_load %arg12[%get3A_57] {strides = array<i32>} : memref<80xf32, #tpu.memory_space<vmem>>, vector<16xf32>,
      %get3A_59 = vector.shape_cast %get3A_58 : vector<16xf32> to vector<16xf32>
      %get3A_60 = arith.constant 32 : index
      %get3A_61 = tpu.vector_load %arg13[%get3A_60] {strides = array<i32>} : memref<80xf32, #tpu.memory_space<vmem>>, vector<16xf32>,
      %get3A_62 = vector.shape_cast %get3A_61 : vector<16xf32> to vector<16xf32>
      %add3A_63 = arith.addf %get3A_59, %get3A_62 : vector<16xf32>
      %get3A_64 = arith.constant 32 : index
      %get3A_65 = tpu.vector_load %arg11[%get3A_64] {strides = array<i32>} : memref<80xf32, #tpu.memory_space<vmem>>, vector<16xf32>,
      %get3A_66 = vector.shape_cast %get3A_65 : vector<16xf32> to vector<16xf32>
      %add3A_67 = arith.addf %add3A_63, %get3A_66 : vector<16xf32>
      %add3A_68 = arith.addf %add3A_67, %get3A_2 : vector<16xf32>
      %swap3A_69 = arith.constant 32 : index
      %swap3A_70 = tpu.vector_load %arg14[%swap3A_69] {strides = array<i32>} : memref<80xf32, #tpu.memory_space<vmem>>, vector<16xf32>,
      %swap3A_71 = vector.shape_cast %swap3A_70 : vector<16xf32> to vector<16xf32>
      %swap3A_72 = vector.shape_cast %add3A_68 : vector<16xf32> to vector<16xf32>
      tpu.vector_store %arg14[%swap3A_69], %swap3A_72 {strides = array<i32>} : memref<80xf32, #tpu.memory_space<vmem>>, vector<16xf32>,
      %get3A_73 = arith.constant 48 : index
      %get3A_74 = tpu.vector_load %arg12[%get3A_73] {strides = array<i32>} : memref<80xf32, #tpu.memory_space<vmem>>, vector<16xf32>,
      %get3A_75 = vector.shape_cast %get3A_74 : vector<16xf32> to vector<16xf32>
      %get3A_76 = arith.constant 48 : index
      %get3A_77 = tpu.vector_load %arg13[%get3A_76] {strides = array<i32>} : memref<80xf32, #tpu.memory_space<vmem>>, vector<16xf32>,
      %get3A_78 = vector.shape_cast %get3A_77 : vector<16xf32> to vector<16xf32>
      %add3A_79 = arith.addf %get3A_75, %get3A_78 : vector<16xf32>
      %get3A_80 = arith.constant 48 : index
      %get3A_81 = tpu.vector_load %arg11[%get3A_80] {strides = array<i32>} : memref<80xf32, #tpu.memory_space<vmem>>, vector<16xf32>,
      %get3A_82 = vector.shape_cast %get3A_81 : vector<16xf32> to vector<16xf32>
      %add3A_83 = arith.addf %add3A_79, %get3A_82 : vector<16xf32>
      %add3A_84 = arith.addf %add3A_83, %get3A_2 : vector<16xf32>
      %swap3A_85 = arith.constant 48 : index
      %swap3A_86 = tpu.vector_load %arg14[%swap3A_85] {strides = array<i32>} : memref<80xf32, #tpu.memory_space<vmem>>, vector<16xf32>,
      %swap3A_87 = vector.shape_cast %swap3A_86 : vector<16xf32> to vector<16xf32>
      %swap3A_88 = vector.shape_cast %add3A_84 : vector<16xf32> to vector<16xf32>
      tpu.vector_store %arg14[%swap3A_85], %swap3A_88 {strides = array<i32>} : memref<80xf32, #tpu.memory_space<vmem>>, vector<16xf32>,
      %get3A_89 = arith.constant 64 : index
      %get3A_90 = tpu.vector_load %arg12[%get3A_89] {strides = array<i32>} : memref<80xf32, #tpu.memory_space<vmem>>, vector<16xf32>,
      %get3A_91 = vector.shape_cast %get3A_90 : vector<16xf32> to vector<16xf32>
      %get3A_92 = arith.constant 64 : index
      %get3A_93 = tpu.vector_load %arg13[%get3A_92] {strides = array<i32>} : memref<80xf32, #tpu.memory_space<vmem>>, vector<16xf32>,
      %get3A_94 = vector.shape_cast %get3A_93 : vector<16xf32> to vector<16xf32>
      %add3A_95 = arith.addf %get3A_91, %get3A_94 : vector<16xf32>
      %get3A_96 = arith.constant 64 : index
      %get3A_97 = tpu.vector_load %arg11[%get3A_96] {strides = array<i32>} : memref<80xf32, #tpu.memory_space<vmem>>, vector<16xf32>,
      %get3A_98 = vector.shape_cast %get3A_97 : vector<16xf32> to vector<16xf32>
      %add3A_99 = arith.addf %add3A_95, %get3A_98 : vector<16xf32>
      %add3A_100 = arith.addf %add3A_99, %get3A_2 : vector<16xf32>
      %swap3A_101 = arith.constant 64 : index
      %swap3A_102 = tpu.vector_load %arg14[%swap3A_101] {strides = array<i32>} : memref<80xf32, #tpu.memory_space<vmem>>, vector<16xf32>,
      %swap3A_103 = vector.shape_cast %swap3A_102 : vector<16xf32> to vector<16xf32>
      %swap3A_104 = vector.shape_cast %add3A_100 : vector<16xf32> to vector<16xf32>
      tpu.vector_store %arg14[%swap3A_101], %swap3A_104 {strides = array<i32>} : memref<80xf32, #tpu.memory_space<vmem>>, vector<16xf32>,
      "tpu.region"() ({
        %run_scoped3A = tpu.sem_alloc : memref<!tpu.dma_semaphore, #tpu.memory_space<semaphore_mem>>
        %dma_start3A_106 = tpu.memref_slice %arg8[%add3A_15] : memref<320000xf32, #tpu.memory_space<hbm>> -> memref<80xf32, #tpu.memory_space<hbm>>
        %dma_start3A_107 = tpu.memref_slice %arg8[%add3A_15] : memref<320000xf32, #tpu.memory_space<hbm>> -> memref<80xf32, #tpu.memory_space<hbm>>
        tpu.enqueue_dma source(%arg14 : memref<80xf32, #tpu.memory_space<vmem>>) target(%dma_start3A_107 : memref<80xf32, #tpu.memory_space<hbm>>) target_semaphore(%run_scoped3A : memref<!tpu.dma_semaphore, #tpu.memory_space<semaphore_mem>>)
        %dma_wait3A_108 = tpu.memref_slice %arg8[%add3A_15] : memref<320000xf32, #tpu.memory_space<hbm>> -> memref<80xf32, #tpu.memory_space<hbm>>
        %dma_wait3A_109 = tpu.memref_slice %arg8[%add3A_15] : memref<320000xf32, #tpu.memory_space<hbm>> -> memref<80xf32, #tpu.memory_space<hbm>>
        tpu.wait_dma2 semaphore(%run_scoped3A : memref<!tpu.dma_semaphore, #tpu.memory_space<semaphore_mem>>) src(%arg14 : memref<80xf32, #tpu.memory_space<vmem>>) dst(%dma_wait3A_109 : memref<80xf32, #tpu.memory_space<hbm>>)
        tpu.yield
      }) : () -> ()
      %scan3A_105 = arith.constant 0 : i32
      scf.yield %scan3A_105 : i32
    }
    %scan3A_10 = arith.constant 125 : i32
    return
  }
}

#map = affine_map<(d0, d1) -> (0, 0)>
#map1 = affine_map<(d0, d1) -> (0)>
#map2 = affine_map<(d0, d1) -> (0, 0, 0)>
module attributes {stable_mosaic.version = 14 : i64} {
  func.func @_aggr_body(%arg0: i32, %arg1: i32, %arg2: memref<10000x64xf32, #tpu.memory_space<hbm>>, %arg3: memref<320000x64xf32, #tpu.memory_space<hbm>>, %arg4: memref<320000xi32, #tpu.memory_space<hbm>>, %arg5: memref<320000xi32, #tpu.memory_space<hbm>>, %arg6: memref<16xi32, #tpu.memory_space<hbm>>, %arg7: memref<10000x64xf32, #tpu.memory_space<hbm>>, %arg8: memref<2x10240x64xf32, #tpu.memory_space<hbm>>, %arg9: memref<10240x64xf32, #tpu.memory_space<vmem_shared>>, %arg10: memref<80xi32, #tpu.memory_space<vmem>>, %arg11: memref<80xi32, #tpu.memory_space<vmem>>, %arg12: memref<80xi32, #tpu.memory_space<vmem>>, %arg13: memref<16xi32, #tpu.memory_space<vmem>>, %arg14: memref<80x64xf32, #tpu.memory_space<vmem>>, %arg15: memref<80x64xf32, #tpu.memory_space<vmem>>, %arg16: memref<80x64xf32, #tpu.memory_space<vmem>>, %arg17: memref<80x64xf32, #tpu.memory_space<vmem>>, %arg18: memref<!tpu.dma_semaphore, #tpu.memory_space<semaphore_mem>>, %arg19: memref<!tpu.dma_semaphore, #tpu.memory_space<semaphore_mem>>, %arg20: memref<!tpu.dma_semaphore, #tpu.memory_space<semaphore_mem>>) attributes {dimension_semantics = [#tpu.dimension_semantics<core_parallel>, #tpu.dimension_semantics<subcore_parallel>], iteration_bounds = array<i64: 2, 16>, scalar_prefetch = 0 : i64, scratch_operands = 12 : i64, tpu.core_type = #tpu.core_type<sc_vector_subcore>, window_params = [{transform_indices = #map}, {transform_indices = #map}, {transform_indices = #map1}, {transform_indices = #map1}, {transform_indices = #map1}, {transform_indices = #map}, {transform_indices = #map2}]} {
    %mul3A = arith.constant 2 : i32
    %mul3A_0 = arith.muli %arg1, %mul3A : i32
    %add3A = arith.addi %mul3A_0, %arg0 : i32
    %scan3A = arith.constant 0 : i32
    %scan3A_1 = arith.constant 0 : i32
    %scan3A_2 = arith.constant 80 : i32
    %scan3A_3 = arith.addi %scan3A_1, %scan3A_2 : i32
    %scan3A_4 = arith.constant 1 : i32
    %scan3A_5 = scf.for %scan3A_30 = %scan3A_1 to %scan3A_3 step %scan3A_4 iter_args(%scan3A_31 = %scan3A) -> (i32)  : i32 {
      %broadcast_in_dim3A = arith.constant 0.000000e+00 : f32
      %broadcast_in_dim3A_32 = vector.broadcast %broadcast_in_dim3A : f32 to vector<16xf32>
      %swap3A = arith.index_cast %scan3A_30 : i32 to index
      %swap3A_33 = arith.constant 0 : index
      %swap3A_34 = tpu.vector_load %arg17[%swap3A, %swap3A_33] {strides = array<i32>} : memref<80x64xf32, #tpu.memory_space<vmem>>, vector<1x16xf32>,
      %swap3A_35 = vector.shape_cast %swap3A_34 : vector<1x16xf32> to vector<16xf32>
      %swap3A_36 = vector.shape_cast %broadcast_in_dim3A_32 : vector<16xf32> to vector<1x16xf32>
      tpu.vector_store %arg17[%swap3A, %swap3A_33], %swap3A_36 {strides = array<i32>} : memref<80x64xf32, #tpu.memory_space<vmem>>, vector<1x16xf32>,
      %broadcast_in_dim3A_37 = arith.constant 0.000000e+00 : f32
      %broadcast_in_dim3A_38 = vector.broadcast %broadcast_in_dim3A_37 : f32 to vector<16xf32>
      %swap3A_39 = arith.index_cast %scan3A_30 : i32 to index
      %swap3A_40 = arith.constant 16 : index
      %swap3A_41 = tpu.vector_load %arg17[%swap3A_39, %swap3A_40] {strides = array<i32>} : memref<80x64xf32, #tpu.memory_space<vmem>>, vector<1x16xf32>,
      %swap3A_42 = vector.shape_cast %swap3A_41 : vector<1x16xf32> to vector<16xf32>
      %swap3A_43 = vector.shape_cast %broadcast_in_dim3A_38 : vector<16xf32> to vector<1x16xf32>
      tpu.vector_store %arg17[%swap3A_39, %swap3A_40], %swap3A_43 {strides = array<i32>} : memref<80x64xf32, #tpu.memory_space<vmem>>, vector<1x16xf32>,
      %broadcast_in_dim3A_44 = arith.constant 0.000000e+00 : f32
      %broadcast_in_dim3A_45 = vector.broadcast %broadcast_in_dim3A_44 : f32 to vector<16xf32>
      %swap3A_46 = arith.index_cast %scan3A_30 : i32 to index
      %swap3A_47 = arith.constant 32 : index
      %swap3A_48 = tpu.vector_load %arg17[%swap3A_46, %swap3A_47] {strides = array<i32>} : memref<80x64xf32, #tpu.memory_space<vmem>>, vector<1x16xf32>,
      %swap3A_49 = vector.shape_cast %swap3A_48 : vector<1x16xf32> to vector<16xf32>
      %swap3A_50 = vector.shape_cast %broadcast_in_dim3A_45 : vector<16xf32> to vector<1x16xf32>
      tpu.vector_store %arg17[%swap3A_46, %swap3A_47], %swap3A_50 {strides = array<i32>} : memref<80x64xf32, #tpu.memory_space<vmem>>, vector<1x16xf32>,
      %broadcast_in_dim3A_51 = arith.constant 0.000000e+00 : f32
      %broadcast_in_dim3A_52 = vector.broadcast %broadcast_in_dim3A_51 : f32 to vector<16xf32>
      %swap3A_53 = arith.index_cast %scan3A_30 : i32 to index
      %swap3A_54 = arith.constant 48 : index
      %swap3A_55 = tpu.vector_load %arg17[%swap3A_53, %swap3A_54] {strides = array<i32>} : memref<80x64xf32, #tpu.memory_space<vmem>>, vector<1x16xf32>,
      %swap3A_56 = vector.shape_cast %swap3A_55 : vector<1x16xf32> to vector<16xf32>
      %swap3A_57 = vector.shape_cast %broadcast_in_dim3A_52 : vector<16xf32> to vector<1x16xf32>
      tpu.vector_store %arg17[%swap3A_53, %swap3A_54], %swap3A_57 {strides = array<i32>} : memref<80x64xf32, #tpu.memory_space<vmem>>, vector<1x16xf32>,
      %scan3A_58 = arith.constant 0 : i32
      scf.yield %scan3A_58 : i32
    }
    %scan3A_6 = arith.constant 80 : i32
    %scan3A_7 = arith.constant 0 : i32
    %scan3A_8 = arith.constant 0 : i32
    %scan3A_9 = arith.constant 8 : i32
    %scan3A_10 = arith.addi %scan3A_8, %scan3A_9 : i32
    %scan3A_11 = arith.constant 1 : i32
    %scan3A_12 = scf.for %scan3A_30 = %scan3A_8 to %scan3A_10 step %scan3A_11 iter_args(%scan3A_31 = %scan3A_7) -> (i32)  : i32 {
      %mul3A_32 = arith.constant 640 : i32
      %mul3A_33 = arith.muli %arg1, %mul3A_32 : i32
      %mul3A_34 = arith.constant 80 : i32
      %mul3A_35 = arith.muli %scan3A_30, %mul3A_34 : i32
      %add3A_36 = arith.addi %mul3A_33, %mul3A_35 : i32
      "tpu.region"() ({
        %run_scoped3A = tpu.sem_alloc : memref<!tpu.dma_semaphore, #tpu.memory_space<semaphore_mem>>
        %dma_start3A = arith.constant 0 : i32
        %dma_start3A_38 = tpu.memref_slice %arg9[%add3A_36, %dma_start3A] : memref<10240x64xf32, #tpu.memory_space<vmem_shared>> -> memref<80x64xf32, #tpu.memory_space<vmem_shared>>
        %dma_start3A_39 = arith.constant 0 : i32
        %dma_start3A_40 = tpu.memref_slice %arg9[%add3A_36, %dma_start3A_39] : memref<10240x64xf32, #tpu.memory_space<vmem_shared>> -> memref<80x64xf32, #tpu.memory_space<vmem_shared>>
        tpu.enqueue_dma source(%arg17 : memref<80x64xf32, #tpu.memory_space<vmem>>) target(%dma_start3A_40 : memref<80x64xf32, #tpu.memory_space<vmem_shared>>) target_semaphore(%run_scoped3A : memref<!tpu.dma_semaphore, #tpu.memory_space<semaphore_mem>>)
        %dma_wait3A = arith.constant 0 : i32
        %dma_wait3A_41 = tpu.memref_slice %arg9[%add3A_36, %dma_wait3A] : memref<10240x64xf32, #tpu.memory_space<vmem_shared>> -> memref<80x64xf32, #tpu.memory_space<vmem_shared>>
        %dma_wait3A_42 = arith.constant 0 : i32
        %dma_wait3A_43 = tpu.memref_slice %arg9[%add3A_36, %dma_wait3A_42] : memref<10240x64xf32, #tpu.memory_space<vmem_shared>> -> memref<80x64xf32, #tpu.memory_space<vmem_shared>>
        tpu.wait_dma2 semaphore(%run_scoped3A : memref<!tpu.dma_semaphore, #tpu.memory_space<semaphore_mem>>) src(%arg17 : memref<80x64xf32, #tpu.memory_space<vmem>>) dst(%dma_wait3A_43 : memref<80x64xf32, #tpu.memory_space<vmem_shared>>)
        tpu.yield
      }) : () -> ()
      %scan3A_37 = arith.constant 0 : i32
      scf.yield %scan3A_37 : i32
    }
    %scan3A_13 = arith.constant 8 : i32
    %barrier3A = arith.constant 0 : index
    tpu.barrier barrier_id(%barrier3A)
    "tpu.region"() ({
      %run_scoped3A = tpu.sem_alloc : memref<!tpu.dma_semaphore, #tpu.memory_space<semaphore_mem>>
      tpu.enqueue_dma source(%arg6 : memref<16xi32, #tpu.memory_space<hbm>>) target(%arg13 : memref<16xi32, #tpu.memory_space<vmem>>) target_semaphore(%run_scoped3A : memref<!tpu.dma_semaphore, #tpu.memory_space<semaphore_mem>>)
      tpu.wait_dma2 semaphore(%run_scoped3A : memref<!tpu.dma_semaphore, #tpu.memory_space<semaphore_mem>>) src(%arg6 : memref<16xi32, #tpu.memory_space<hbm>>) dst(%arg13 : memref<16xi32, #tpu.memory_space<vmem>>)
      tpu.yield
    }) : () -> ()
    %get3A = arith.constant 0 : index
    %get3A_14 = tpu.vector_load %arg13[%get3A] {strides = array<i32>} : memref<16xi32, #tpu.memory_space<vmem>>, vector<16xi32>,
    %get3A_15 = vector.shape_cast %get3A_14 : vector<16xi32> to vector<16xi32>
    %mul3A_16 = arith.constant 10000 : i32
    %mul3A_17 = arith.muli %add3A, %mul3A_16 : i32
    %scan3A_18 = arith.constant 0 : i32
    %scan3A_19 = arith.constant 0 : i32
    %scan3A_20 = arith.constant 125 : i32
    %scan3A_21 = arith.addi %scan3A_19, %scan3A_20 : i32
    %scan3A_22 = arith.constant 1 : i32
    %scan3A_23 = scf.for %scan3A_30 = %scan3A_19 to %scan3A_21 step %scan3A_22 iter_args(%scan3A_31 = %scan3A_18) -> (i32)  : i32 {
      %mul3A_32 = arith.constant 80 : i32
      %mul3A_33 = arith.muli %scan3A_30, %mul3A_32 : i32
      %add3A_34 = arith.addi %mul3A_17, %mul3A_33 : i32
      "tpu.region"() ({
        %run_scoped3A = tpu.sem_alloc : memref<!tpu.dma_semaphore, #tpu.memory_space<semaphore_mem>>
        %dma_start3A_99 = tpu.memref_slice %arg4[%add3A_34] : memref<320000xi32, #tpu.memory_space<hbm>> -> memref<80xi32, #tpu.memory_space<hbm>>
        %dma_start3A_100 = tpu.memref_slice %arg4[%add3A_34] : memref<320000xi32, #tpu.memory_space<hbm>> -> memref<80xi32, #tpu.memory_space<hbm>>
        tpu.enqueue_dma source(%dma_start3A_100 : memref<80xi32, #tpu.memory_space<hbm>>) target(%arg10 : memref<80xi32, #tpu.memory_space<vmem>>) target_semaphore(%run_scoped3A : memref<!tpu.dma_semaphore, #tpu.memory_space<semaphore_mem>>)
        %dma_wait3A_101 = tpu.memref_slice %arg4[%add3A_34] : memref<320000xi32, #tpu.memory_space<hbm>> -> memref<80xi32, #tpu.memory_space<hbm>>
        %dma_wait3A_102 = tpu.memref_slice %arg4[%add3A_34] : memref<320000xi32, #tpu.memory_space<hbm>> -> memref<80xi32, #tpu.memory_space<hbm>>
        tpu.wait_dma2 semaphore(%run_scoped3A : memref<!tpu.dma_semaphore, #tpu.memory_space<semaphore_mem>>) src(%dma_wait3A_102 : memref<80xi32, #tpu.memory_space<hbm>>) dst(%arg10 : memref<80xi32, #tpu.memory_space<vmem>>)
        tpu.yield
      }) : () -> ()
      "tpu.region"() ({
        %run_scoped3A = tpu.sem_alloc : memref<!tpu.dma_semaphore, #tpu.memory_space<semaphore_mem>>
        %dma_start3A_99 = tpu.memref_slice %arg5[%add3A_34] : memref<320000xi32, #tpu.memory_space<hbm>> -> memref<80xi32, #tpu.memory_space<hbm>>
        %dma_start3A_100 = tpu.memref_slice %arg5[%add3A_34] : memref<320000xi32, #tpu.memory_space<hbm>> -> memref<80xi32, #tpu.memory_space<hbm>>
        tpu.enqueue_dma source(%dma_start3A_100 : memref<80xi32, #tpu.memory_space<hbm>>) target(%arg11 : memref<80xi32, #tpu.memory_space<vmem>>) target_semaphore(%run_scoped3A : memref<!tpu.dma_semaphore, #tpu.memory_space<semaphore_mem>>)
        %dma_wait3A_101 = tpu.memref_slice %arg5[%add3A_34] : memref<320000xi32, #tpu.memory_space<hbm>> -> memref<80xi32, #tpu.memory_space<hbm>>
        %dma_wait3A_102 = tpu.memref_slice %arg5[%add3A_34] : memref<320000xi32, #tpu.memory_space<hbm>> -> memref<80xi32, #tpu.memory_space<hbm>>
        tpu.wait_dma2 semaphore(%run_scoped3A : memref<!tpu.dma_semaphore, #tpu.memory_space<semaphore_mem>>) src(%dma_wait3A_102 : memref<80xi32, #tpu.memory_space<hbm>>) dst(%arg11 : memref<80xi32, #tpu.memory_space<vmem>>)
        tpu.yield
      }) : () -> ()
      %dma_start3A = arith.constant 0 : i32
      %dma_start3A_35 = tpu.memref_slice %arg3[%add3A_34, %dma_start3A] : memref<320000x64xf32, #tpu.memory_space<hbm>> -> memref<80x64xf32, #tpu.memory_space<hbm>>
      %dma_start3A_36 = arith.constant 0 : i32
      %dma_start3A_37 = tpu.memref_slice %arg3[%add3A_34, %dma_start3A_36] : memref<320000x64xf32, #tpu.memory_space<hbm>> -> memref<80x64xf32, #tpu.memory_space<hbm>>
      tpu.enqueue_dma source(%dma_start3A_37 : memref<80x64xf32, #tpu.memory_space<hbm>>) target(%arg15 : memref<80x64xf32, #tpu.memory_space<vmem>>) target_semaphore(%arg19 : memref<!tpu.dma_semaphore, #tpu.memory_space<semaphore_mem>>)
      %dma_start3A_38 = arith.constant 0 : i32
      %dma_start3A_39 = arith.constant 0 : i32
      %dma_start3A_40 = tpu.memref_slice %arg2[%dma_start3A_38, %dma_start3A_39] : memref<10000x64xf32, #tpu.memory_space<hbm>> -> memref<10000x64xf32, #tpu.memory_space<hbm>>
      tpu.enqueue_indirect_dma source(%dma_start3A_40 : memref<10000x64xf32, #tpu.memory_space<hbm>>) target(%arg14 : memref<80x64xf32, #tpu.memory_space<vmem>>) offsets(%arg10 : memref<80xi32, #tpu.memory_space<vmem>>) semaphore(%arg18 : memref<!tpu.dma_semaphore, #tpu.memory_space<semaphore_mem>>)
      %get3A_41 = arith.constant 0 : index
      %get3A_42 = tpu.vector_load %arg10[%get3A_41] {strides = array<i32>} : memref<80xi32, #tpu.memory_space<vmem>>, vector<16xi32>,
      %get3A_43 = vector.shape_cast %get3A_42 : vector<16xi32> to vector<16xi32>
      %sub3A = arith.subi %get3A_43, %get3A_15 : vector<16xi32>
      %swap3A = arith.constant 0 : index
      %swap3A_44 = tpu.vector_load %arg12[%swap3A] {strides = array<i32>} : memref<80xi32, #tpu.memory_space<vmem>>, vector<16xi32>,
      %swap3A_45 = vector.shape_cast %swap3A_44 : vector<16xi32> to vector<16xi32>
      %swap3A_46 = vector.shape_cast %sub3A : vector<16xi32> to vector<16xi32>
      tpu.vector_store %arg12[%swap3A], %swap3A_46 {strides = array<i32>} : memref<80xi32, #tpu.memory_space<vmem>>, vector<16xi32>,
      %get3A_47 = arith.constant 16 : index
      %get3A_48 = tpu.vector_load %arg10[%get3A_47] {strides = array<i32>} : memref<80xi32, #tpu.memory_space<vmem>>, vector<16xi32>,
      %get3A_49 = vector.shape_cast %get3A_48 : vector<16xi32> to vector<16xi32>
      %sub3A_50 = arith.subi %get3A_49, %get3A_15 : vector<16xi32>
      %swap3A_51 = arith.constant 16 : index
      %swap3A_52 = tpu.vector_load %arg12[%swap3A_51] {strides = array<i32>} : memref<80xi32, #tpu.memory_space<vmem>>, vector<16xi32>,
      %swap3A_53 = vector.shape_cast %swap3A_52 : vector<16xi32> to vector<16xi32>
      %swap3A_54 = vector.shape_cast %sub3A_50 : vector<16xi32> to vector<16xi32>
      tpu.vector_store %arg12[%swap3A_51], %swap3A_54 {strides = array<i32>} : memref<80xi32, #tpu.memory_space<vmem>>, vector<16xi32>,
      %get3A_55 = arith.constant 32 : index
      %get3A_56 = tpu.vector_load %arg10[%get3A_55] {strides = array<i32>} : memref<80xi32, #tpu.memory_space<vmem>>, vector<16xi32>,
      %get3A_57 = vector.shape_cast %get3A_56 : vector<16xi32> to vector<16xi32>
      %sub3A_58 = arith.subi %get3A_57, %get3A_15 : vector<16xi32>
      %swap3A_59 = arith.constant 32 : index
      %swap3A_60 = tpu.vector_load %arg12[%swap3A_59] {strides = array<i32>} : memref<80xi32, #tpu.memory_space<vmem>>, vector<16xi32>,
      %swap3A_61 = vector.shape_cast %swap3A_60 : vector<16xi32> to vector<16xi32>
      %swap3A_62 = vector.shape_cast %sub3A_58 : vector<16xi32> to vector<16xi32>
      tpu.vector_store %arg12[%swap3A_59], %swap3A_62 {strides = array<i32>} : memref<80xi32, #tpu.memory_space<vmem>>, vector<16xi32>,
      %get3A_63 = arith.constant 48 : index
      %get3A_64 = tpu.vector_load %arg10[%get3A_63] {strides = array<i32>} : memref<80xi32, #tpu.memory_space<vmem>>, vector<16xi32>,
      %get3A_65 = vector.shape_cast %get3A_64 : vector<16xi32> to vector<16xi32>
      %sub3A_66 = arith.subi %get3A_65, %get3A_15 : vector<16xi32>
      %swap3A_67 = arith.constant 48 : index
      %swap3A_68 = tpu.vector_load %arg12[%swap3A_67] {strides = array<i32>} : memref<80xi32, #tpu.memory_space<vmem>>, vector<16xi32>,
      %swap3A_69 = vector.shape_cast %swap3A_68 : vector<16xi32> to vector<16xi32>
      %swap3A_70 = vector.shape_cast %sub3A_66 : vector<16xi32> to vector<16xi32>
      tpu.vector_store %arg12[%swap3A_67], %swap3A_70 {strides = array<i32>} : memref<80xi32, #tpu.memory_space<vmem>>, vector<16xi32>,
      %get3A_71 = arith.constant 64 : index
      %get3A_72 = tpu.vector_load %arg10[%get3A_71] {strides = array<i32>} : memref<80xi32, #tpu.memory_space<vmem>>, vector<16xi32>,
      %get3A_73 = vector.shape_cast %get3A_72 : vector<16xi32> to vector<16xi32>
      %sub3A_74 = arith.subi %get3A_73, %get3A_15 : vector<16xi32>
      %swap3A_75 = arith.constant 64 : index
      %swap3A_76 = tpu.vector_load %arg12[%swap3A_75] {strides = array<i32>} : memref<80xi32, #tpu.memory_space<vmem>>, vector<16xi32>,
      %swap3A_77 = vector.shape_cast %swap3A_76 : vector<16xi32> to vector<16xi32>
      %swap3A_78 = vector.shape_cast %sub3A_74 : vector<16xi32> to vector<16xi32>
      tpu.vector_store %arg12[%swap3A_75], %swap3A_78 {strides = array<i32>} : memref<80xi32, #tpu.memory_space<vmem>>, vector<16xi32>,
      %dma_start3A_79 = arith.constant 0 : i32
      %dma_start3A_80 = arith.constant 0 : i32
      %dma_start3A_81 = tpu.memref_slice %arg7[%dma_start3A_79, %dma_start3A_80] : memref<10000x64xf32, #tpu.memory_space<hbm>> -> memref<10000x64xf32, #tpu.memory_space<hbm>>
      tpu.enqueue_indirect_dma source(%dma_start3A_81 : memref<10000x64xf32, #tpu.memory_space<hbm>>) target(%arg16 : memref<80x64xf32, #tpu.memory_space<vmem>>) offsets(%arg12 : memref<80xi32, #tpu.memory_space<vmem>>) semaphore(%arg20 : memref<!tpu.dma_semaphore, #tpu.memory_space<semaphore_mem>>)
      %dma_wait3A = arith.constant 0 : i32
      %dma_wait3A_82 = tpu.memref_slice %arg3[%add3A_34, %dma_wait3A] : memref<320000x64xf32, #tpu.memory_space<hbm>> -> memref<80x64xf32, #tpu.memory_space<hbm>>
      %dma_wait3A_83 = arith.constant 0 : i32
      %dma_wait3A_84 = tpu.memref_slice %arg3[%add3A_34, %dma_wait3A_83] : memref<320000x64xf32, #tpu.memory_space<hbm>> -> memref<80x64xf32, #tpu.memory_space<hbm>>
      tpu.wait_dma2 semaphore(%arg19 : memref<!tpu.dma_semaphore, #tpu.memory_space<semaphore_mem>>) src(%dma_wait3A_84 : memref<80x64xf32, #tpu.memory_space<hbm>>) dst(%arg15 : memref<80x64xf32, #tpu.memory_space<vmem>>)
      %dma_wait3A_85 = arith.constant 0 : i32
      %dma_wait3A_86 = arith.constant 0 : i32
      %dma_wait3A_87 = tpu.memref_slice %arg2[%dma_wait3A_85, %dma_wait3A_86] : memref<10000x64xf32, #tpu.memory_space<hbm>> -> memref<10000x64xf32, #tpu.memory_space<hbm>>
      tpu.wait_indirect_dma semaphore(%arg18 : memref<!tpu.dma_semaphore, #tpu.memory_space<semaphore_mem>>) src(%dma_wait3A_87 : memref<10000x64xf32, #tpu.memory_space<hbm>>) dst(%arg14 : memref<80x64xf32, #tpu.memory_space<vmem>>)
      %dma_wait3A_88 = arith.constant 0 : i32
      %dma_wait3A_89 = arith.constant 0 : i32
      %dma_wait3A_90 = tpu.memref_slice %arg7[%dma_wait3A_88, %dma_wait3A_89] : memref<10000x64xf32, #tpu.memory_space<hbm>> -> memref<10000x64xf32, #tpu.memory_space<hbm>>
      tpu.wait_indirect_dma semaphore(%arg20 : memref<!tpu.dma_semaphore, #tpu.memory_space<semaphore_mem>>) src(%dma_wait3A_90 : memref<10000x64xf32, #tpu.memory_space<hbm>>) dst(%arg16 : memref<80x64xf32, #tpu.memory_space<vmem>>)
      %scan3A_91 = arith.constant 0 : i32
      %scan3A_92 = arith.constant 0 : i32
      %scan3A_93 = arith.constant 80 : i32
      %scan3A_94 = arith.addi %scan3A_92, %scan3A_93 : i32
      %scan3A_95 = arith.constant 1 : i32
      %scan3A_96 = scf.for %scan3A_99 = %scan3A_92 to %scan3A_94 step %scan3A_95 iter_args(%scan3A_100 = %scan3A_91) -> (i32)  : i32 {
        %get3A_101 = arith.index_cast %scan3A_99 : i32 to index
        %get3A_102 = arith.constant 0 : index
        %get3A_103 = tpu.vector_load %arg14[%get3A_101, %get3A_102] {strides = array<i32>} : memref<80x64xf32, #tpu.memory_space<vmem>>, vector<1x16xf32>,
        %get3A_104 = vector.shape_cast %get3A_103 : vector<1x16xf32> to vector<16xf32>
        %get3A_105 = arith.index_cast %scan3A_99 : i32 to index
        %get3A_106 = arith.constant 0 : index
        %get3A_107 = tpu.vector_load %arg15[%get3A_105, %get3A_106] {strides = array<i32>} : memref<80x64xf32, #tpu.memory_space<vmem>>, vector<1x16xf32>,
        %get3A_108 = vector.shape_cast %get3A_107 : vector<1x16xf32> to vector<16xf32>
        %add3A_109 = arith.addf %get3A_104, %get3A_108 : vector<16xf32>
        %max3A = arith.constant 0.000000e+00 : f32
        %max3A_110 = vector.broadcast %max3A : f32 to vector<16xf32>
        %max3A_111 = arith.maximumf %add3A_109, %max3A_110 : vector<16xf32>
        %get3A_112 = arith.index_cast %scan3A_99 : i32 to index
        %get3A_113 = arith.constant 0 : index
        %get3A_114 = tpu.vector_load %arg16[%get3A_112, %get3A_113] {strides = array<i32>} : memref<80x64xf32, #tpu.memory_space<vmem>>, vector<1x16xf32>,
        %get3A_115 = vector.shape_cast %get3A_114 : vector<1x16xf32> to vector<16xf32>
        %mul3A_116 = arith.mulf %max3A_111, %get3A_115 : vector<16xf32>
        %swap3A_117 = arith.index_cast %scan3A_99 : i32 to index
        %swap3A_118 = arith.constant 0 : index
        %swap3A_119 = tpu.vector_load %arg17[%swap3A_117, %swap3A_118] {strides = array<i32>} : memref<80x64xf32, #tpu.memory_space<vmem>>, vector<1x16xf32>,
        %swap3A_120 = vector.shape_cast %swap3A_119 : vector<1x16xf32> to vector<16xf32>
        %swap3A_121 = vector.shape_cast %mul3A_116 : vector<16xf32> to vector<1x16xf32>
        tpu.vector_store %arg17[%swap3A_117, %swap3A_118], %swap3A_121 {strides = array<i32>} : memref<80x64xf32, #tpu.memory_space<vmem>>, vector<1x16xf32>,
        %get3A_122 = arith.index_cast %scan3A_99 : i32 to index
        %get3A_123 = arith.constant 16 : index
        %get3A_124 = tpu.vector_load %arg14[%get3A_122, %get3A_123] {strides = array<i32>} : memref<80x64xf32, #tpu.memory_space<vmem>>, vector<1x16xf32>,
        %get3A_125 = vector.shape_cast %get3A_124 : vector<1x16xf32> to vector<16xf32>
        %get3A_126 = arith.index_cast %scan3A_99 : i32 to index
        %get3A_127 = arith.constant 16 : index
        %get3A_128 = tpu.vector_load %arg15[%get3A_126, %get3A_127] {strides = array<i32>} : memref<80x64xf32, #tpu.memory_space<vmem>>, vector<1x16xf32>,
        %get3A_129 = vector.shape_cast %get3A_128 : vector<1x16xf32> to vector<16xf32>
        %add3A_130 = arith.addf %get3A_125, %get3A_129 : vector<16xf32>
        %max3A_131 = arith.constant 0.000000e+00 : f32
        %max3A_132 = vector.broadcast %max3A_131 : f32 to vector<16xf32>
        %max3A_133 = arith.maximumf %add3A_130, %max3A_132 : vector<16xf32>
        %get3A_134 = arith.index_cast %scan3A_99 : i32 to index
        %get3A_135 = arith.constant 16 : index
        %get3A_136 = tpu.vector_load %arg16[%get3A_134, %get3A_135] {strides = array<i32>} : memref<80x64xf32, #tpu.memory_space<vmem>>, vector<1x16xf32>,
        %get3A_137 = vector.shape_cast %get3A_136 : vector<1x16xf32> to vector<16xf32>
        %mul3A_138 = arith.mulf %max3A_133, %get3A_137 : vector<16xf32>
        %swap3A_139 = arith.index_cast %scan3A_99 : i32 to index
        %swap3A_140 = arith.constant 16 : index
        %swap3A_141 = tpu.vector_load %arg17[%swap3A_139, %swap3A_140] {strides = array<i32>} : memref<80x64xf32, #tpu.memory_space<vmem>>, vector<1x16xf32>,
        %swap3A_142 = vector.shape_cast %swap3A_141 : vector<1x16xf32> to vector<16xf32>
        %swap3A_143 = vector.shape_cast %mul3A_138 : vector<16xf32> to vector<1x16xf32>
        tpu.vector_store %arg17[%swap3A_139, %swap3A_140], %swap3A_143 {strides = array<i32>} : memref<80x64xf32, #tpu.memory_space<vmem>>, vector<1x16xf32>,
        %get3A_144 = arith.index_cast %scan3A_99 : i32 to index
        %get3A_145 = arith.constant 32 : index
        %get3A_146 = tpu.vector_load %arg14[%get3A_144, %get3A_145] {strides = array<i32>} : memref<80x64xf32, #tpu.memory_space<vmem>>, vector<1x16xf32>,
        %get3A_147 = vector.shape_cast %get3A_146 : vector<1x16xf32> to vector<16xf32>
        %get3A_148 = arith.index_cast %scan3A_99 : i32 to index
        %get3A_149 = arith.constant 32 : index
        %get3A_150 = tpu.vector_load %arg15[%get3A_148, %get3A_149] {strides = array<i32>} : memref<80x64xf32, #tpu.memory_space<vmem>>, vector<1x16xf32>,
        %get3A_151 = vector.shape_cast %get3A_150 : vector<1x16xf32> to vector<16xf32>
        %add3A_152 = arith.addf %get3A_147, %get3A_151 : vector<16xf32>
        %max3A_153 = arith.constant 0.000000e+00 : f32
        %max3A_154 = vector.broadcast %max3A_153 : f32 to vector<16xf32>
        %max3A_155 = arith.maximumf %add3A_152, %max3A_154 : vector<16xf32>
        %get3A_156 = arith.index_cast %scan3A_99 : i32 to index
        %get3A_157 = arith.constant 32 : index
        %get3A_158 = tpu.vector_load %arg16[%get3A_156, %get3A_157] {strides = array<i32>} : memref<80x64xf32, #tpu.memory_space<vmem>>, vector<1x16xf32>,
        %get3A_159 = vector.shape_cast %get3A_158 : vector<1x16xf32> to vector<16xf32>
        %mul3A_160 = arith.mulf %max3A_155, %get3A_159 : vector<16xf32>
        %swap3A_161 = arith.index_cast %scan3A_99 : i32 to index
        %swap3A_162 = arith.constant 32 : index
        %swap3A_163 = tpu.vector_load %arg17[%swap3A_161, %swap3A_162] {strides = array<i32>} : memref<80x64xf32, #tpu.memory_space<vmem>>, vector<1x16xf32>,
        %swap3A_164 = vector.shape_cast %swap3A_163 : vector<1x16xf32> to vector<16xf32>
        %swap3A_165 = vector.shape_cast %mul3A_160 : vector<16xf32> to vector<1x16xf32>
        tpu.vector_store %arg17[%swap3A_161, %swap3A_162], %swap3A_165 {strides = array<i32>} : memref<80x64xf32, #tpu.memory_space<vmem>>, vector<1x16xf32>,
        %get3A_166 = arith.index_cast %scan3A_99 : i32 to index
        %get3A_167 = arith.constant 48 : index
        %get3A_168 = tpu.vector_load %arg14[%get3A_166, %get3A_167] {strides = array<i32>} : memref<80x64xf32, #tpu.memory_space<vmem>>, vector<1x16xf32>,
        %get3A_169 = vector.shape_cast %get3A_168 : vector<1x16xf32> to vector<16xf32>
        %get3A_170 = arith.index_cast %scan3A_99 : i32 to index
        %get3A_171 = arith.constant 48 : index
        %get3A_172 = tpu.vector_load %arg15[%get3A_170, %get3A_171] {strides = array<i32>} : memref<80x64xf32, #tpu.memory_space<vmem>>, vector<1x16xf32>,
        %get3A_173 = vector.shape_cast %get3A_172 : vector<1x16xf32> to vector<16xf32>
        %add3A_174 = arith.addf %get3A_169, %get3A_173 : vector<16xf32>
        %max3A_175 = arith.constant 0.000000e+00 : f32
        %max3A_176 = vector.broadcast %max3A_175 : f32 to vector<16xf32>
        %max3A_177 = arith.maximumf %add3A_174, %max3A_176 : vector<16xf32>
        %get3A_178 = arith.index_cast %scan3A_99 : i32 to index
        %get3A_179 = arith.constant 48 : index
        %get3A_180 = tpu.vector_load %arg16[%get3A_178, %get3A_179] {strides = array<i32>} : memref<80x64xf32, #tpu.memory_space<vmem>>, vector<1x16xf32>,
        %get3A_181 = vector.shape_cast %get3A_180 : vector<1x16xf32> to vector<16xf32>
        %mul3A_182 = arith.mulf %max3A_177, %get3A_181 : vector<16xf32>
        %swap3A_183 = arith.index_cast %scan3A_99 : i32 to index
        %swap3A_184 = arith.constant 48 : index
        %swap3A_185 = tpu.vector_load %arg17[%swap3A_183, %swap3A_184] {strides = array<i32>} : memref<80x64xf32, #tpu.memory_space<vmem>>, vector<1x16xf32>,
        %swap3A_186 = vector.shape_cast %swap3A_185 : vector<1x16xf32> to vector<16xf32>
        %swap3A_187 = vector.shape_cast %mul3A_182 : vector<16xf32> to vector<1x16xf32>
        tpu.vector_store %arg17[%swap3A_183, %swap3A_184], %swap3A_187 {strides = array<i32>} : memref<80x64xf32, #tpu.memory_space<vmem>>, vector<1x16xf32>,
        %scan3A_188 = arith.constant 0 : i32
        scf.yield %scan3A_188 : i32
      }
      %scan3A_97 = arith.constant 80 : i32
      "tpu.region"() ({
        %run_scoped3A = tpu.sem_alloc : memref<!tpu.dma_semaphore, #tpu.memory_space<semaphore_mem>>
        %dma_start3A_99 = arith.constant 0 : i32
        %dma_start3A_100 = arith.constant 0 : i32
        %dma_start3A_101 = tpu.memref_slice %arg9[%dma_start3A_99, %dma_start3A_100] : memref<10240x64xf32, #tpu.memory_space<vmem_shared>> -> memref<10240x64xf32, #tpu.memory_space<vmem_shared>>
        tpu.enqueue_indirect_dma source(%arg17 : memref<80x64xf32, #tpu.memory_space<vmem>>) target(%dma_start3A_101 : memref<10240x64xf32, #tpu.memory_space<vmem_shared>>) offsets(%arg11 : memref<80xi32, #tpu.memory_space<vmem>>) semaphore(%run_scoped3A : memref<!tpu.dma_semaphore, #tpu.memory_space<semaphore_mem>>) {add = true}
        %dma_wait3A_102 = arith.constant 0 : i32
        %dma_wait3A_103 = arith.constant 0 : i32
        %dma_wait3A_104 = tpu.memref_slice %arg9[%dma_wait3A_102, %dma_wait3A_103] : memref<10240x64xf32, #tpu.memory_space<vmem_shared>> -> memref<10240x64xf32, #tpu.memory_space<vmem_shared>>
        tpu.wait_indirect_dma semaphore(%run_scoped3A : memref<!tpu.dma_semaphore, #tpu.memory_space<semaphore_mem>>) src(%arg17 : memref<80x64xf32, #tpu.memory_space<vmem>>) dst(%dma_wait3A_104 : memref<10240x64xf32, #tpu.memory_space<vmem_shared>>)
        tpu.yield
      }) : () -> ()
      %scan3A_98 = arith.constant 0 : i32
      scf.yield %scan3A_98 : i32
    }
    %scan3A_24 = arith.constant 125 : i32
    %barrier3A_25 = arith.constant 0 : index
    tpu.barrier barrier_id(%barrier3A_25)
    %mul3A_26 = arith.constant 640 : i32
    %mul3A_27 = arith.muli %arg1, %mul3A_26 : i32
    %mul3A_28 = arith.constant 640 : i32
    %mul3A_29 = arith.muli %arg1, %mul3A_28 : i32
    "tpu.region"() ({
      %run_scoped3A = tpu.sem_alloc : memref<!tpu.dma_semaphore, #tpu.memory_space<semaphore_mem>>
      %dma_start3A = arith.constant 0 : i32
      %dma_start3A_30 = tpu.memref_slice %arg8[%arg0, %mul3A_29, %dma_start3A] : memref<2x10240x64xf32, #tpu.memory_space<hbm>> -> memref<1x640x64xf32, #tpu.memory_space<hbm>>
      %dma_start3A_31 = tpu.memref_squeeze %dma_start3A_30 : memref<1x640x64xf32, #tpu.memory_space<hbm>> -> memref<640x64xf32, #tpu.memory_space<hbm>>
      %dma_start3A_32 = arith.constant 0 : i32
      %dma_start3A_33 = tpu.memref_slice %arg9[%mul3A_27, %dma_start3A_32] : memref<10240x64xf32, #tpu.memory_space<vmem_shared>> -> memref<640x64xf32, #tpu.memory_space<vmem_shared>>
      tpu.enqueue_dma source(%dma_start3A_33 : memref<640x64xf32, #tpu.memory_space<vmem_shared>>) target(%dma_start3A_31 : memref<640x64xf32, #tpu.memory_space<hbm>>) target_semaphore(%run_scoped3A : memref<!tpu.dma_semaphore, #tpu.memory_space<semaphore_mem>>)
      %dma_wait3A = arith.constant 0 : i32
      %dma_wait3A_34 = tpu.memref_slice %arg8[%arg0, %mul3A_29, %dma_wait3A] : memref<2x10240x64xf32, #tpu.memory_space<hbm>> -> memref<1x640x64xf32, #tpu.memory_space<hbm>>
      %dma_wait3A_35 = tpu.memref_squeeze %dma_wait3A_34 : memref<1x640x64xf32, #tpu.memory_space<hbm>> -> memref<640x64xf32, #tpu.memory_space<hbm>>
      %dma_wait3A_36 = arith.constant 0 : i32
      %dma_wait3A_37 = tpu.memref_slice %arg9[%mul3A_27, %dma_wait3A_36] : memref<10240x64xf32, #tpu.memory_space<vmem_shared>> -> memref<640x64xf32, #tpu.memory_space<vmem_shared>>
      tpu.wait_dma2 semaphore(%run_scoped3A : memref<!tpu.dma_semaphore, #tpu.memory_space<semaphore_mem>>) src(%dma_wait3A_37 : memref<640x64xf32, #tpu.memory_space<vmem_shared>>) dst(%dma_wait3A_35 : memref<640x64xf32, #tpu.memory_space<hbm>>)
      tpu.yield
    }) : () -> ()
    return
  }
}

module attributes {stable_mosaic.version = 14 : i64} {
  func.func @_edgefeat_body(%arg0: i32, %arg1: memref<4000x16xf32, #tpu.memory_space<vmem>>, %arg2: memref<1x1x4000xi32, #tpu.memory_space<vmem>>, %arg3: memref<16x64xf32, #tpu.memory_space<vmem>>, %arg4: memref<1x64xf32, #tpu.memory_space<vmem>>, %arg5: memref<16x1xf32, #tpu.memory_space<vmem>>, %arg6: memref<4000x64xf32, #tpu.memory_space<vmem>>, %arg7: memref<4000x1xf32, #tpu.memory_space<vmem>>, %arg8: memref<1x1xi32, #tpu.memory_space<smem>>) attributes {dimension_semantics = [#tpu.dimension_semantics<arbitrary>], iteration_bounds = array<i64: 80>, scalar_prefetch = 0 : i64, scratch_operands = 0 : i64, tpu.core_type = #tpu.core_type<tc>, window_params = [{transform_indices = @transform_0, window_bounds = array<i64: 4000, 16>}, {transform_indices = @transform_1, window_bounds = array<i64: 1, 1, 4000>}, {pipeline_mode = #tpu.pipeline_mode<synchronous>, transform_indices = @transform_2, window_bounds = array<i64: 16, 64>}, {pipeline_mode = #tpu.pipeline_mode<synchronous>, transform_indices = @transform_3, window_bounds = array<i64: 1, 64>}, {pipeline_mode = #tpu.pipeline_mode<synchronous>, transform_indices = @transform_4, window_bounds = array<i64: 16, 1>}, {transform_indices = @transform_5, window_bounds = array<i64: 4000, 64>}, {transform_indices = @transform_6, window_bounds = array<i64: 4000, 1>}, {transform_indices = @transform_7, window_bounds = array<i64: 1, 1>}]} {
    %get3A = arith.constant 0 : index
    %get3A_0 = arith.constant 0 : index
    %get3A_1 = vector.load %arg1[%get3A, %get3A_0] : memref<4000x16xf32, #tpu.memory_space<vmem>>, vector<4000x16xf32>
    %get3A_2 = arith.constant 0 : index
    %get3A_3 = arith.constant 0 : index
    %get3A_4 = vector.load %arg3[%get3A_2, %get3A_3] : memref<16x64xf32, #tpu.memory_space<vmem>>, vector<16x64xf32>
    %dot_general3A = arith.constant dense<0.000000e+00> : vector<4000x64xf32>
    %dot_general3A_5 = tpu.matmul %get3A_1, %get3A_4, %dot_general3A {dimension_numbers = #tpu.dot_dimension_numbers<[1], [0], [0], [1], [0, 0, 1, 1], [], []>, transpose_lhs_hint = false} : vector<4000x16xf32>, vector<16x64xf32>, vector<4000x64xf32> -> vector<4000x64xf32>
    %get3A_6 = arith.constant 0 : index
    %get3A_7 = arith.constant 0 : index
    %get3A_8 = vector.load %arg4[%get3A_6, %get3A_7] : memref<1x64xf32, #tpu.memory_space<vmem>>, vector<1x64xf32>
    %add3A = vector.broadcast %get3A_8 : vector<1x64xf32> to vector<4000x64xf32>
    %add3A_9 = arith.addf %dot_general3A_5, %add3A : vector<4000x64xf32>
    %swap3A = arith.constant 0 : index
    %swap3A_10 = arith.constant 0 : index
    %swap3A_11 = vector.load %arg6[%swap3A, %swap3A_10] : memref<4000x64xf32, #tpu.memory_space<vmem>>, vector<4000x64xf32>
    tpu.vector_store %arg6[%swap3A, %swap3A_10], %add3A_9 {strides = array<i32>} : memref<4000x64xf32, #tpu.memory_space<vmem>>, vector<4000x64xf32>,
    %get3A_12 = arith.constant 0 : index
    %get3A_13 = arith.constant 0 : index
    %get3A_14 = vector.load %arg1[%get3A_12, %get3A_13] : memref<4000x16xf32, #tpu.memory_space<vmem>>, vector<4000x16xf32>
    %get3A_15 = arith.constant 0 : index
    %get3A_16 = arith.constant 0 : index
    %get3A_17 = vector.load %arg5[%get3A_15, %get3A_16] : memref<16x1xf32, #tpu.memory_space<vmem>>, vector<16x1xf32>
    %dot_general3A_18 = arith.constant dense<0.000000e+00> : vector<4000x1xf32>
    %dot_general3A_19 = tpu.matmul %get3A_14, %get3A_17, %dot_general3A_18 {dimension_numbers = #tpu.dot_dimension_numbers<[1], [0], [0], [1], [0, 0, 1, 1], [], []>, transpose_lhs_hint = false} : vector<4000x16xf32>, vector<16x1xf32>, vector<4000x1xf32> -> vector<4000x1xf32>
    %swap3A_20 = arith.constant 0 : index
    %swap3A_21 = arith.constant 0 : index
    %swap3A_22 = vector.load %arg7[%swap3A_20, %swap3A_21] : memref<4000x1xf32, #tpu.memory_space<vmem>>, vector<4000x1xf32>
    tpu.vector_store %arg7[%swap3A_20, %swap3A_21], %dot_general3A_19 {strides = array<i32>} : memref<4000x1xf32, #tpu.memory_space<vmem>>, vector<4000x1xf32>,
    %eq3A = arith.constant 0 : i32
    %eq3A_23 = arith.cmpi eq, %arg0, %eq3A : i32
    %convert_element_type3A = arith.extui %eq3A_23 : i1 to i32
    %cond3A = arith.constant 0 : i32
    %cond3A_24 = arith.cmpi ne, %convert_element_type3A, %cond3A : i32
    scf.if %cond3A_24 {
      %swap3A_39 = arith.constant 0 : i32
      %swap3A_40 = arith.constant 0 : index
      %swap3A_41 = arith.constant 0 : index
      %swap3A_42 = memref.load %arg8[%swap3A_40, %swap3A_41] : memref<1x1xi32, #tpu.memory_space<smem>>
      memref.store %swap3A_39, %arg8[%swap3A_40, %swap3A_41] : memref<1x1xi32, #tpu.memory_space<smem>>
    } else {
    }
    %get3A_25 = arith.constant 0 : index
    %get3A_26 = arith.constant 0 : index
    %get3A_27 = memref.load %arg8[%get3A_25, %get3A_26] : memref<1x1xi32, #tpu.memory_space<smem>>
    %get3A_28 = arith.constant 0 : index
    %get3A_29 = arith.constant 0 : index
    %get3A_30 = arith.constant 0 : index
    %get3A_31 = vector.load %arg2[%get3A_28, %get3A_29, %get3A_30] : memref<1x1x4000xi32, #tpu.memory_space<vmem>>, vector<1x1x4000xi32>
    %reduce_max3A = vector.shape_cast %get3A_31 : vector<1x1x4000xi32> to vector<1x1x1x4000xi32>
    %reduce_max3A_32 = arith.constant dense<-2147483648> : vector<1xi32>
    %reduce_max3A_33 = vector.multi_reduction <maxsi>, %reduce_max3A, %reduce_max3A_32 [1, 2, 3] : vector<1x1x1x4000xi32> to vector<1xi32>
    %reduce_max3A_34 = vector.shape_cast %reduce_max3A_33 : vector<1xi32> to vector<1x1x1x1xi32>
    %reduce_max3A_35 = vector.extract %reduce_max3A_34[0, 0, 0, 0] : i32 from vector<1x1x1x1xi32>
    %max3A = arith.maxsi %get3A_27, %reduce_max3A_35 : i32
    %swap3A_36 = arith.constant 0 : index
    %swap3A_37 = arith.constant 0 : index
    %swap3A_38 = memref.load %arg8[%swap3A_36, %swap3A_37] : memref<1x1xi32, #tpu.memory_space<smem>>
    memref.store %max3A, %arg8[%swap3A_36, %swap3A_37] : memref<1x1xi32, #tpu.memory_space<smem>>
    return
  }
  func.func @transform_0(%arg0: i32) -> (i32, i32) {
    %c0_i32 = arith.constant 0 : i32
    %c0_i32_0 = arith.constant 0 : i32
    return %arg0, %c0_i32 : i32, i32
  }
  func.func @transform_1(%arg0: i32) -> (i32, i32, i32) {
    %c0_i32 = arith.constant 0 : i32
    %c0_i32_0 = arith.constant 0 : i32
    %c0_i32_1 = arith.constant 0 : i32
    return %arg0, %c0_i32, %c0_i32_0 : i32, i32, i32
  }
  func.func @transform_2(%arg0: i32) -> (i32, i32) {
    %c0_i32 = arith.constant 0 : i32
    %c0_i32_0 = arith.constant 0 : i32
    %c0_i32_1 = arith.constant 0 : i32
    return %c0_i32, %c0_i32_0 : i32, i32
  }
  func.func @transform_3(%arg0: i32) -> (i32, i32) {
    %c0_i32 = arith.constant 0 : i32
    %c0_i32_0 = arith.constant 0 : i32
    %c0_i32_1 = arith.constant 0 : i32
    return %c0_i32, %c0_i32_0 : i32, i32
  }
  func.func @transform_4(%arg0: i32) -> (i32, i32) {
    %c0_i32 = arith.constant 0 : i32
    %c0_i32_0 = arith.constant 0 : i32
    %c0_i32_1 = arith.constant 0 : i32
    return %c0_i32, %c0_i32_0 : i32, i32
  }
  func.func @transform_5(%arg0: i32) -> (i32, i32) {
    %c0_i32 = arith.constant 0 : i32
    %c0_i32_0 = arith.constant 0 : i32
    return %arg0, %c0_i32 : i32, i32
  }
  func.func @transform_6(%arg0: i32) -> (i32, i32) {
    %c0_i32 = arith.constant 0 : i32
    %c0_i32_0 = arith.constant 0 : i32
    return %arg0, %c0_i32 : i32, i32
  }
  func.func @transform_7(%arg0: i32) -> (i32, i32) {
    %c0_i32 = arith.constant 0 : i32
    %c0_i32_0 = arith.constant 0 : i32
    %c0_i32_1 = arith.constant 0 : i32
    return %c0_i32, %c0_i32_0 : i32, i32
  }
}

module attributes {stable_mosaic.version = 14 : i64} {
  func.func @_emb_body(%arg0: i32, %arg1: memref<400x10000xf32, #tpu.memory_space<vmem>>, %arg2: memref<10000x128xf32, #tpu.memory_space<vmem>>, %arg3: memref<1x128xf32, #tpu.memory_space<vmem>>, %arg4: memref<128x64xf32, #tpu.memory_space<vmem>>, %arg5: memref<128x128xf32, #tpu.memory_space<vmem>>, %arg6: memref<400x64xf32, #tpu.memory_space<vmem>>, %arg7: memref<400x128xf32, #tpu.memory_space<vmem>>) attributes {dimension_semantics = [#tpu.dimension_semantics<parallel>], iteration_bounds = array<i64: 25>, scalar_prefetch = 0 : i64, scratch_operands = 0 : i64, tpu.core_type = #tpu.core_type<tc>, window_params = [{transform_indices = @transform_0, window_bounds = array<i64: 400, 10000>}, {pipeline_mode = #tpu.pipeline_mode<synchronous>, transform_indices = @transform_1, window_bounds = array<i64: 10000, 128>}, {pipeline_mode = #tpu.pipeline_mode<synchronous>, transform_indices = @transform_2, window_bounds = array<i64: 1, 128>}, {pipeline_mode = #tpu.pipeline_mode<synchronous>, transform_indices = @transform_3, window_bounds = array<i64: 128, 64>}, {pipeline_mode = #tpu.pipeline_mode<synchronous>, transform_indices = @transform_4, window_bounds = array<i64: 128, 128>}, {transform_indices = @transform_5, window_bounds = array<i64: 400, 64>}, {transform_indices = @transform_6, window_bounds = array<i64: 400, 128>}]} {
    %get3A = arith.constant 0 : index
    %get3A_0 = arith.constant 0 : index
    %get3A_1 = vector.load %arg1[%get3A, %get3A_0] : memref<400x10000xf32, #tpu.memory_space<vmem>>, vector<400x10000xf32>
    %get3A_2 = arith.constant 0 : index
    %get3A_3 = arith.constant 0 : index
    %get3A_4 = vector.load %arg2[%get3A_2, %get3A_3] : memref<10000x128xf32, #tpu.memory_space<vmem>>, vector<10000x128xf32>
    %dot_general3A = arith.constant dense<0.000000e+00> : vector<400x128xf32>
    %dot_general3A_5 = tpu.matmul %get3A_1, %get3A_4, %dot_general3A {dimension_numbers = #tpu.dot_dimension_numbers<[1], [0], [0], [1], [0, 0, 1, 1], [], []>, transpose_lhs_hint = false} : vector<400x10000xf32>, vector<10000x128xf32>, vector<400x128xf32> -> vector<400x128xf32>
    %get3A_6 = arith.constant 0 : index
    %get3A_7 = arith.constant 0 : index
    %get3A_8 = vector.load %arg3[%get3A_6, %get3A_7] : memref<1x128xf32, #tpu.memory_space<vmem>>, vector<1x128xf32>
    %add3A = vector.broadcast %get3A_8 : vector<1x128xf32> to vector<400x128xf32>
    %add3A_9 = arith.addf %dot_general3A_5, %add3A : vector<400x128xf32>
    %get3A_10 = arith.constant 0 : index
    %get3A_11 = arith.constant 0 : index
    %get3A_12 = vector.load %arg4[%get3A_10, %get3A_11] : memref<128x64xf32, #tpu.memory_space<vmem>>, vector<128x64xf32>
    %dot_general3A_13 = arith.constant dense<0.000000e+00> : vector<400x64xf32>
    %dot_general3A_14 = tpu.matmul %add3A_9, %get3A_12, %dot_general3A_13 {dimension_numbers = #tpu.dot_dimension_numbers<[1], [0], [0], [1], [0, 0, 1, 1], [], []>, transpose_lhs_hint = false} : vector<400x128xf32>, vector<128x64xf32>, vector<400x64xf32> -> vector<400x64xf32>
    %swap3A = arith.constant 0 : index
    %swap3A_15 = arith.constant 0 : index
    %swap3A_16 = vector.load %arg6[%swap3A, %swap3A_15] : memref<400x64xf32, #tpu.memory_space<vmem>>, vector<400x64xf32>
    tpu.vector_store %arg6[%swap3A, %swap3A_15], %dot_general3A_14 {strides = array<i32>} : memref<400x64xf32, #tpu.memory_space<vmem>>, vector<400x64xf32>,
    %get3A_17 = arith.constant 0 : index
    %get3A_18 = arith.constant 0 : index
    %get3A_19 = vector.load %arg5[%get3A_17, %get3A_18] : memref<128x128xf32, #tpu.memory_space<vmem>>, vector<128x128xf32>
    %dot_general3A_20 = arith.constant dense<0.000000e+00> : vector<400x128xf32>
    %dot_general3A_21 = tpu.matmul %add3A_9, %get3A_19, %dot_general3A_20 {dimension_numbers = #tpu.dot_dimension_numbers<[1], [0], [0], [1], [0, 0, 1, 1], [], []>, transpose_lhs_hint = false} : vector<400x128xf32>, vector<128x128xf32>, vector<400x128xf32> -> vector<400x128xf32>
    %swap3A_22 = arith.constant 0 : index
    %swap3A_23 = arith.constant 0 : index
    %swap3A_24 = vector.load %arg7[%swap3A_22, %swap3A_23] : memref<400x128xf32, #tpu.memory_space<vmem>>, vector<400x128xf32>
    tpu.vector_store %arg7[%swap3A_22, %swap3A_23], %dot_general3A_21 {strides = array<i32>} : memref<400x128xf32, #tpu.memory_space<vmem>>, vector<400x128xf32>,
    return
  }
  func.func @transform_0(%arg0: i32) -> (i32, i32) {
    %c0_i32 = arith.constant 0 : i32
    %c0_i32_0 = arith.constant 0 : i32
    return %arg0, %c0_i32 : i32, i32
  }
  func.func @transform_1(%arg0: i32) -> (i32, i32) {
    %c0_i32 = arith.constant 0 : i32
    %c0_i32_0 = arith.constant 0 : i32
    %c0_i32_1 = arith.constant 0 : i32
    return %c0_i32, %c0_i32_0 : i32, i32
  }
  func.func @transform_2(%arg0: i32) -> (i32, i32) {
    %c0_i32 = arith.constant 0 : i32
    %c0_i32_0 = arith.constant 0 : i32
    %c0_i32_1 = arith.constant 0 : i32
    return %c0_i32, %c0_i32_0 : i32, i32
  }
  func.func @transform_3(%arg0: i32) -> (i32, i32) {
    %c0_i32 = arith.constant 0 : i32
    %c0_i32_0 = arith.constant 0 : i32
    %c0_i32_1 = arith.constant 0 : i32
    return %c0_i32, %c0_i32_0 : i32, i32
  }
  func.func @transform_4(%arg0: i32) -> (i32, i32) {
    %c0_i32 = arith.constant 0 : i32
    %c0_i32_0 = arith.constant 0 : i32
    %c0_i32_1 = arith.constant 0 : i32
    return %c0_i32, %c0_i32_0 : i32, i32
  }
  func.func @transform_5(%arg0: i32) -> (i32, i32) {
    %c0_i32 = arith.constant 0 : i32
    %c0_i32_0 = arith.constant 0 : i32
    return %arg0, %c0_i32 : i32, i32
  }
  func.func @transform_6(%arg0: i32) -> (i32, i32) {
    %c0_i32 = arith.constant 0 : i32
    %c0_i32_0 = arith.constant 0 : i32
    return %arg0, %c0_i32 : i32, i32
  }
}

module attributes {stable_mosaic.version = 14 : i64} {
  func.func @_update_body(%arg0: i32, %arg1: memref<2x400x64xf32, #tpu.memory_space<vmem>>, %arg2: memref<400x128xf32, #tpu.memory_space<vmem>>, %arg3: memref<64x128xf32, #tpu.memory_space<vmem>>, %arg4: memref<1x128xf32, #tpu.memory_space<vmem>>, %arg5: memref<128x64xf32, #tpu.memory_space<vmem>>, %arg6: memref<1x64xf32, #tpu.memory_space<vmem>>, %arg7: memref<128x2xf32, #tpu.memory_space<vmem>>, %arg8: memref<400x64xf32, #tpu.memory_space<vmem>>, %arg9: memref<400x2xf32, #tpu.memory_space<vmem>>) attributes {dimension_semantics = [#tpu.dimension_semantics<parallel>], iteration_bounds = array<i64: 25>, scalar_prefetch = 0 : i64, scratch_operands = 0 : i64, tpu.core_type = #tpu.core_type<tc>, window_params = [{transform_indices = @transform_0, window_bounds = array<i64: 2, 400, 64>}, {transform_indices = @transform_1, window_bounds = array<i64: 400, 128>}, {pipeline_mode = #tpu.pipeline_mode<synchronous>, transform_indices = @transform_2, window_bounds = array<i64: 64, 128>}, {pipeline_mode = #tpu.pipeline_mode<synchronous>, transform_indices = @transform_3, window_bounds = array<i64: 1, 128>}, {pipeline_mode = #tpu.pipeline_mode<synchronous>, transform_indices = @transform_4, window_bounds = array<i64: 128, 64>}, {pipeline_mode = #tpu.pipeline_mode<synchronous>, transform_indices = @transform_5, window_bounds = array<i64: 1, 64>}, {pipeline_mode = #tpu.pipeline_mode<synchronous>, transform_indices = @transform_6, window_bounds = array<i64: 128, 2>}, {transform_indices = @transform_7, window_bounds = array<i64: 400, 64>}, {transform_indices = @transform_8, window_bounds = array<i64: 400, 2>}]} {
    %get3A = arith.constant 0 : index
    %get3A_0 = arith.constant 0 : index
    %get3A_1 = arith.constant 0 : index
    %get3A_2 = vector.load %arg1[%get3A, %get3A_0, %get3A_1] : memref<2x400x64xf32, #tpu.memory_space<vmem>>, vector<1x400x64xf32>
    %get3A_3 = vector.shape_cast %get3A_2 : vector<1x400x64xf32> to vector<400x64xf32>
    %get3A_4 = arith.constant 1 : index
    %get3A_5 = arith.constant 0 : index
    %get3A_6 = arith.constant 0 : index
    %get3A_7 = vector.load %arg1[%get3A_4, %get3A_5, %get3A_6] : memref<2x400x64xf32, #tpu.memory_space<vmem>>, vector<1x400x64xf32>
    %get3A_8 = vector.shape_cast %get3A_7 : vector<1x400x64xf32> to vector<400x64xf32>
    %add3A = arith.addf %get3A_3, %get3A_8 : vector<400x64xf32>
    %get3A_9 = arith.constant 0 : index
    %get3A_10 = arith.constant 0 : index
    %get3A_11 = vector.load %arg3[%get3A_9, %get3A_10] : memref<64x128xf32, #tpu.memory_space<vmem>>, vector<64x128xf32>
    %dot_general3A = arith.constant dense<0.000000e+00> : vector<400x128xf32>
    %dot_general3A_12 = tpu.matmul %add3A, %get3A_11, %dot_general3A {dimension_numbers = #tpu.dot_dimension_numbers<[1], [0], [0], [1], [0, 0, 1, 1], [], []>, transpose_lhs_hint = false} : vector<400x64xf32>, vector<64x128xf32>, vector<400x128xf32> -> vector<400x128xf32>
    %get3A_13 = arith.constant 0 : index
    %get3A_14 = arith.constant 0 : index
    %get3A_15 = vector.load %arg2[%get3A_13, %get3A_14] : memref<400x128xf32, #tpu.memory_space<vmem>>, vector<400x128xf32>
    %add3A_16 = arith.addf %dot_general3A_12, %get3A_15 : vector<400x128xf32>
    %get3A_17 = arith.constant 0 : index
    %get3A_18 = arith.constant 0 : index
    %get3A_19 = vector.load %arg4[%get3A_17, %get3A_18] : memref<1x128xf32, #tpu.memory_space<vmem>>, vector<1x128xf32>
    %add3A_20 = vector.broadcast %get3A_19 : vector<1x128xf32> to vector<400x128xf32>
    %add3A_21 = arith.addf %add3A_16, %add3A_20 : vector<400x128xf32>
    %max3A = arith.constant 0.000000e+00 : f32
    %max3A_22 = vector.broadcast %max3A : f32 to vector<400x128xf32>
    %max3A_23 = arith.maximumf %add3A_21, %max3A_22 : vector<400x128xf32>
    %get3A_24 = arith.constant 0 : index
    %get3A_25 = arith.constant 0 : index
    %get3A_26 = vector.load %arg5[%get3A_24, %get3A_25] : memref<128x64xf32, #tpu.memory_space<vmem>>, vector<128x64xf32>
    %dot_general3A_27 = arith.constant dense<0.000000e+00> : vector<400x64xf32>
    %dot_general3A_28 = tpu.matmul %max3A_23, %get3A_26, %dot_general3A_27 {dimension_numbers = #tpu.dot_dimension_numbers<[1], [0], [0], [1], [0, 0, 1, 1], [], []>, transpose_lhs_hint = false} : vector<400x128xf32>, vector<128x64xf32>, vector<400x64xf32> -> vector<400x64xf32>
    %get3A_29 = arith.constant 0 : index
    %get3A_30 = arith.constant 0 : index
    %get3A_31 = vector.load %arg6[%get3A_29, %get3A_30] : memref<1x64xf32, #tpu.memory_space<vmem>>, vector<1x64xf32>
    %add3A_32 = vector.broadcast %get3A_31 : vector<1x64xf32> to vector<400x64xf32>
    %add3A_33 = arith.addf %dot_general3A_28, %add3A_32 : vector<400x64xf32>
    %swap3A = arith.constant 0 : index
    %swap3A_34 = arith.constant 0 : index
    %swap3A_35 = vector.load %arg8[%swap3A, %swap3A_34] : memref<400x64xf32, #tpu.memory_space<vmem>>, vector<400x64xf32>
    tpu.vector_store %arg8[%swap3A, %swap3A_34], %add3A_33 {strides = array<i32>} : memref<400x64xf32, #tpu.memory_space<vmem>>, vector<400x64xf32>,
    %get3A_36 = arith.constant 0 : index
    %get3A_37 = arith.constant 0 : index
    %get3A_38 = vector.load %arg7[%get3A_36, %get3A_37] : memref<128x2xf32, #tpu.memory_space<vmem>>, vector<128x2xf32>
    %dot_general3A_39 = arith.constant dense<0.000000e+00> : vector<400x2xf32>
    %dot_general3A_40 = tpu.matmul %max3A_23, %get3A_38, %dot_general3A_39 {dimension_numbers = #tpu.dot_dimension_numbers<[1], [0], [0], [1], [0, 0, 1, 1], [], []>, transpose_lhs_hint = false} : vector<400x128xf32>, vector<128x2xf32>, vector<400x2xf32> -> vector<400x2xf32>
    %swap3A_41 = arith.constant 0 : index
    %swap3A_42 = arith.constant 0 : index
    %swap3A_43 = vector.load %arg9[%swap3A_41, %swap3A_42] : memref<400x2xf32, #tpu.memory_space<vmem>>, vector<400x2xf32>
    tpu.vector_store %arg9[%swap3A_41, %swap3A_42], %dot_general3A_40 {strides = array<i32>} : memref<400x2xf32, #tpu.memory_space<vmem>>, vector<400x2xf32>,
    return
  }
  func.func @transform_0(%arg0: i32) -> (i32, i32, i32) {
    %c0_i32 = arith.constant 0 : i32
    %c0_i32_0 = arith.constant 0 : i32
    %c0_i32_1 = arith.constant 0 : i32
    return %c0_i32, %arg0, %c0_i32_0 : i32, i32, i32
  }
  func.func @transform_1(%arg0: i32) -> (i32, i32) {
    %c0_i32 = arith.constant 0 : i32
    %c0_i32_0 = arith.constant 0 : i32
    return %arg0, %c0_i32 : i32, i32
  }
  func.func @transform_2(%arg0: i32) -> (i32, i32) {
    %c0_i32 = arith.constant 0 : i32
    %c0_i32_0 = arith.constant 0 : i32
    %c0_i32_1 = arith.constant 0 : i32
    return %c0_i32, %c0_i32_0 : i32, i32
  }
  func.func @transform_3(%arg0: i32) -> (i32, i32) {
    %c0_i32 = arith.constant 0 : i32
    %c0_i32_0 = arith.constant 0 : i32
    %c0_i32_1 = arith.constant 0 : i32
    return %c0_i32, %c0_i32_0 : i32, i32
  }
  func.func @transform_4(%arg0: i32) -> (i32, i32) {
    %c0_i32 = arith.constant 0 : i32
    %c0_i32_0 = arith.constant 0 : i32
    %c0_i32_1 = arith.constant 0 : i32
    return %c0_i32, %c0_i32_0 : i32, i32
  }
  func.func @transform_5(%arg0: i32) -> (i32, i32) {
    %c0_i32 = arith.constant 0 : i32
    %c0_i32_0 = arith.constant 0 : i32
    %c0_i32_1 = arith.constant 0 : i32
    return %c0_i32, %c0_i32_0 : i32, i32
  }
  func.func @transform_6(%arg0: i32) -> (i32, i32) {
    %c0_i32 = arith.constant 0 : i32
    %c0_i32_0 = arith.constant 0 : i32
    %c0_i32_1 = arith.constant 0 : i32
    return %c0_i32, %c0_i32_0 : i32, i32
  }
  func.func @transform_7(%arg0: i32) -> (i32, i32) {
    %c0_i32 = arith.constant 0 : i32
    %c0_i32_0 = arith.constant 0 : i32
    return %arg0, %c0_i32 : i32, i32
  }
  func.func @transform_8(%arg0: i32) -> (i32, i32) {
    %c0_i32 = arith.constant 0 : i32
    %c0_i32_0 = arith.constant 0 : i32
    return %arg0, %c0_i32 : i32, i32
  }
}

</mosaic_0001>

<sc_bundles>
// kernel: kernel.10.cloned.1.call-start
scs
__scs_entry_jumppad:
0x0: {  	(pc) =	sbr.rel $0x88, $3  }
0x1: {  	(tag) =	ssettag $0x0;
	lr =	simm.s32 $0x1  }
0x2: {  	[smem:$0x3F93] =	sst lr;
	_ =	strace $0xD0000000  }
0x3: {  	_ = 	snop  }
0x4: {  	_ = 	snop  }
0x5: {  	_ = 	snop  }
0x6: {  	_ = 	snop  }
0x7: {  	_ = 	snop  }
__scs_overlays_trampoline_lowered:
0x8: {  	[smem:$0x3FA2] =	sst s0  }
0x9: {  	[smem:$0x3FA3] =	sst s1  }
0xa: {  	[smem:$0x3FA4] =	sst s2  }
0xb: {  	[smem:$0x3FA5] =	sst s3  }
0xc: {  	[smem:$0x3FA6] =	sst s4  }
0xd: {  	[smem:$0x3FA7] =	sst s5  }
0xe: {  	[smem:$0x3FA8] =	sst s6  }
0xf: {  	[smem:$0x3FA9] =	sst s7  }
0x10: {  	[smem:$0x3FAA] =	sst s8  }
0x11: {  	[smem:$0x3FAB] =	sst s9;
	s0 =	simm.s32 @!p0 $0x0  }
0x12: {  	s1 =	sld [smem:$0x3F91];
	s0 =	simm.s32 @p0 $0x1  }
0x13: {  	[smem:$0x3FAC] =	sst s0;
	s0 =	simm.s32 @!p1 $0x0  }
0x14: {  	s2 =	sld [smem:$0x3F90];
	s0 =	simm.s32 @p1 $0x1  }
0x15: {  	[smem:$0x3FAD] =	sst s0;
	s0 =	simm.s32 @!p2 $0x0  }
0x16: {  	s3 =	sld [smem:$0x3FDB];
	s0 =	simm.s32 @p2 $0x1  }
0x17: {  	s4 =	simm.s32 $0x1BF5;
	[smem:$0x3FAF] =	sst s0  }
0x18: {  	s0 =	sld [smem:$0x3F92];
	_ =	swait.ge [sflag:s4], $0x0  }
0x19: {  	s7 =	sld [smem:$0x3F93]  }
0x1a: {  	s8 =	sadd.s32 $0xFFFFE003, lr  }
0x1b: {  	s9 =	sadd.s32 $0xFFFFFEF7, lr;
	s5 =	simm.s32 $0xFFFFFFFF;
	p2 =	slt.u32 s8, $0xFFFFF086  }
0x1c: {  	p1 =	slt.u32 s9, $0xF7A;
	s5 =	simm.s32 @!p2 $0x0  }
0x1d: {  	s5 =	simm.s32 @p1 $0x1;
	p0 =	seq.s32 s7, s2  }
0x1e: {  	s7 =	smul.u32 @!p0 $0xF7A, s2;
	p2 =	seq.s32 @!p0 s5, $0x0  }
0x1f: {  	s9 =	smul.u32 $0xF7A, s1;
	s8 =	simm.s32 @!p0 $0x1BF5;
	p2 =	por !p2, p0  }
0x20: {  	[sflag:s8] =	ssyncset.s32 @!p0 $0xFFFFF086;
	s6 =	sadd.s32 @!p0 s3, s7;
	s7 =	simm.s32 @!p0 $0x108  }
0x21: {  	s3 =	sadd.s32 s3, s9;
	s6 =	sadd.s32 @!p0 $0x88, s6;
	s7 =	simm.s32 @p2 $0x1082  }
0x22: {  	[simem:s7], [sflag:s8] =	dma.local @!p0 [hbm:s6], $0xF7A  }
0x23: {  	s9 =	sor.u32 $0xD0000000, s2;
	s6 =	simm.s32 $0x108;
	_ =	swait.ge @!p0 [sflag:s8], $0x0  }
0x24: {  	s3 =	sadd.s32 $0x88, s3;
	s6 =	simm.s32 @!p1 $0x1082;
	[sflag:s4] =	ssyncset.s32 $0xFFFFF086  }
0x25: {  	[simem:s6], [sflag:s4] =	dma.local [hbm:s3], $0xF7A  }
0x26: {  	[smem:$0x3F93] =	sst s1;
	(tag) =	ssettag s2;
	_ =	strace s9  }
0x27: {  	s1 =	sld [smem:$0x3FA3]  }
0x28: {  	s2 =	sld [smem:$0x3FA4]  }
0x29: {  	s4 =	sld [smem:$0x3FA6]  }
0x2a: {  	p0 =	seq.s32 s5, $0x0;
	s5 =	sld [smem:$0x3FA7]  }
0x2b: {  	s6 =	sld [smem:$0x3FA8]  }
0x2c: {  	s7 =	sld [smem:$0x3FA9]  }
0x2d: {  	s3 =	simm.s32 $0x108;
	s8 =	sld [smem:$0x3FAA]  }
0x2e: {  	s3 =	simm.s32 @!p0 $0x1082;
	s9 =	sld [smem:$0x3FAB]  }
0x2f: {  	lr =	sadd.s32 s0, s3;
	s0 =	sld [smem:$0x3FA2]  }
0x30: {  	s3 =	sld [smem:$0x3FA5]  }
0x31: {  	[smem:$0x3FAE] =	sst s10  }
0x32: {  	s10 =	sld [smem:$0x3FAC];
	_ =	sdelay $0x3  }
0x33: {  	p0 =	seq.s32 s10, $0x1;
	s10 =	sld [smem:$0x3FAE];
	_ =	sdelay $0x3  }
0x34: {  	[smem:$0x3FAE] =	sst s10  }
0x35: {  	s10 =	sld [smem:$0x3FAD];
	_ =	sdelay $0x3  }
0x36: {  	p1 =	seq.s32 s10, $0x1;
	s10 =	sld [smem:$0x3FAE];
	_ =	sdelay $0x3  }
0x37: {  	[smem:$0x3FAE] =	sst s10  }
0x38: {  	s10 =	sld [smem:$0x3FAF]  }
0x39: {  	_ = 	snop;
	(pc) =	sbr.ind lr, $3  }
0x3a: {  	_ = 	snop  }
0x3b: {  	_ = 	snop  }
0x3c: {  	p2 =	seq.s32 s10, $0x1;
	s10 =	sld [smem:$0x3FAE]  }
0x3d: {  	_ =	shalt  }
0x3e: {  	_ =	shalt  }
0x3f: {  	_ =	shalt  }
0x40: {  	_ =	shalt  }
0x41: {  	_ =	shalt  }
0x42: {  	_ =	shalt  }
0x43: {  	_ =	shalt  }
0x44: {  	_ =	shalt  }
0x45: {  	_ =	shalt  }
0x46: {  	_ =	shalt  }
0x47: {  	_ =	shalt  }
0x48: {  	_ =	shalt  }
0x49: {  	_ =	shalt  }
0x4a: {  	_ =	shalt  }
0x4b: {  	_ =	shalt  }
0x4c: {  	_ =	shalt  }
0x4d: {  	_ =	shalt  }
0x4e: {  	_ =	shalt  }
0x4f: {  	_ =	shalt  }
0x50: {  	_ =	shalt  }
0x51: {  	_ =	shalt  }
0x52: {  	_ =	shalt  }
0x53: {  	_ =	shalt  }
0x54: {  	_ =	shalt  }
0x55: {  	_ =	shalt  }
0x56: {  	_ =	shalt  }
0x57: {  	_ =	shalt  }
0x58: {  	_ =	shalt  }
0x59: {  	_ =	shalt  }
0x5a: {  	_ =	shalt  }
0x5b: {  	_ =	shalt  }
0x5c: {  	_ =	shalt  }
0x5d: {  	_ =	shalt  }
0x5e: {  	_ =	shalt  }
0x5f: {  	_ =	shalt  }
0x60: {  	_ =	shalt  }
0x61: {  	_ =	shalt  }
0x62: {  	_ =	shalt  }
0x63: {  	_ =	shalt  }
0x64: {  	_ =	shalt  }
0x65: {  	_ =	shalt  }
0x66: {  	_ =	shalt  }
0x67: {  	_ =	shalt  }
0x68: {  	_ =	shalt  }
0x69: {  	_ =	shalt  }
0x6a: {  	_ =	shalt  }
0x6b: {  	_ =	shalt  }
0x6c: {  	_ =	shalt  }
0x6d: {  	_ =	shalt  }
0x6e: {  	_ =	shalt  }
0x6f: {  	_ =	shalt  }
0x70: {  	_ =	shalt  }
0x71: {  	_ =	shalt  }
0x72: {  	_ =	shalt  }
0x73: {  	_ =	shalt  }
0x74: {  	_ =	shalt  }
0x75: {  	_ =	shalt  }
0x76: {  	_ =	shalt  }
0x77: {  	_ =	shalt  }
0x78: {  	_ =	shalt  }
0x79: {  	_ =	shalt  }
0x7a: {  	_ =	shalt  }
0x7b: {  	_ =	shalt  }
0x7c: {  	_ =	shalt  }
0x7d: {  	_ =	shalt  }
0x7e: {  	_ =	shalt  }
0x7f: {  	_ =	shalt  }
0x80: {  	_ =	shalt  }
0x81: {  	_ =	shalt  }
0x82: {  	_ =	shalt  }
0x83: {  	_ =	shalt  }
0x84: {  	_ =	shalt  }
0x85: {  	_ =	shalt  }
0x86: {  	_ =	shalt  }
0x87: {  	_ =	shalt  }
.Lfunc_end0:
.L_simem_size_0:
called_computation.1_lowered:
.L_overlay_start_0:
0x88: {  	s2 =	sld [smem:$0x3FD9]  }
0x89: {  	s3 =	sld [smem:$0x3FFE];
	_ =	sdelay $0x1  }
0x8a: {  	s1 =	srdreg.scid  }
0x8b: {  	s0 =	sand.u32 $0x1, s1  }
0x8c: {  	s14 =	sshll.u32 s0, $0xA;
	s2 =	sadd.s32 s3, s2  }
0x8d: {  	s2 =	sadd.s32 s2, s14  }
0x8e: {  	[smem:$0x3FBA] =	sst s2  }
0x8f: {  	_ = 	snop  }
0x90: {  	s2 =	sld [smem:$0x3FD0];
	_ =	sdelay $0x2  }
0x91: {  	s15 =	simm.s32 $0xA;
	s4 =	simm.s32 $0x10  }
0x92: {  	[smem:s4], [sflag:s15] =	dma.local [hbm:s2], $0x1  }
0x93: {  	_ =	swait.eq [sflag:s15], $0x1  }
0x94: {  	[sflag:s15] =	ssyncset.done $0x0  }
0x95: {  	[sflag:s15] =	ssyncadd.s32 $0xFFFFFFFF  }
0x96: {  	s16 =	sld [smem:$0x11];
	(tm) =	ssettm $0x1  }
0x97: {  	s17 =	sld [smem:$0x3FFB];
	_ =	sdelay $0x3  }
0x98: {  	_ =	strace s17  }
0x99: {  	s3 =	sld [smem:$0x3FFC];
	_ =	sdelay $0x3  }
0x9a: {  	_ =	strace s3  }
0x9b: {  	s3 =	sld [smem:$0x3FFD];
	_ =	sdelay $0x3  }
0x9c: {  	_ =	strace s3  }
0x9d: {  	_ =	strace $0x8FFFFFFF  }
0x9e: {  	s18 =	sld [smem:$0x3FDB];
	_ =	sdelay $0x1  }
0x9f: {  	s19 =	simm.s32 $_scs_section_size  }
0xa0: {  	s5 =	simm.s32 $_size__tile_overlayer_lowered;
	s6 =	simm.s32 $_tile_overlayer_lowered  }
0xa1: {  	s22 =	simm.s32 $0x1BFF;
	s21 =	sshll.u32 s6, $0x1;
	s3 =	sadd.s32 s19, s18  }
0xa2: {  	s7 =	simm.s32 $0x0;
	s20 =	sshll.u32 s5, $0x1;
	s5 =	sadd.s32 s21, s3  }
0xa3: {  	[timem:s7], [sflag:s22] =	dma.local [hbm:s5], s20  }
0xa4: {  	_ =	swait.ge [sflag:s22], s20  }
0xa5: {  	s4 =	ssub.s32 $0x0, s20;
	[sflag:s22] =	ssyncset.done $0x0  }
0xa6: {  	[sflag:s22] =	ssyncadd.s32 s4;
	_ =	sdelay $0x1  }
0xa7: {  	s23 =	simm.s32 $0x1B8B  }
0xa8: {  	_ =	swait.ge [sflag:s23], $0x1  }
0xa9: {  	[sflag:s23] =	ssyncset.done $0x0  }
0xaa: {  	s25 =	simm.s32 $0x1B8E;
	s24 =	sld [smem:$0x3FFE];
	[sflag:s23] =	ssyncadd.s32 $0xFFFFFFFF  }
0xab: {  	s26 =	simm.s32 $execute0_lowered;
	[smem:$0x3FD2] =	sst s25  }
0xac: {  	s5 =	sshll.u32 s26, $0x1;
	_ =	strace $0x80000049;
	[dreg:$0x1] =	wrdreg $0xFFFFFFFF  }
0xad: {  	s28 =	simm.s32 $_size_execute0_lowered;
	s3 =	sadd.s32 s3, s5;
	[dreg:$0x0] =	wrdreg $0x0  }
0xae: {  	s5 =	sshll.u32 s28, $0x1;
	[dreg:$0x2] =	wrdreg s3  }
0xaf: {  	[dreg:$0x3] =	wrdreg s5  }
0xb0: {  	[dreg:$0x4] =	wrdreg $0xC0  }
0xb1: {  	_ =	task [dreg:s7], $0x5FFFF  }
0xb2: {  	[dreg:$0x1] =	wrdreg $0xFFFFFFFF  }
0xb3: {  	[dreg:$0x0] =	wrdreg $0x60  }
0xb4: {  	[dreg:$0x2] =	wrdreg s24  }
0xb5: {  	[dreg:$0x3] =	wrdreg s16  }
0xb6: {  	[dreg:$0x4] =	wrdreg $0x9  }
0xb7: {  	_ =	task.clear_ibuf [dreg:s7], $0x5FFFF;
	_ =	strace $0x90000049  }
0xb8: {  	s29 =	simm.s32 $0x9;
	_ =	strace $0x8000004B  }
0xb9: {  	_ =	swait.ge [sflag:s29], $0x1  }
0xba: {  	[sflag:s29] =	ssyncadd.s32 $0xFFFFFFFF  }
0xbb: {  	_ =	strace $0x9000004B  }
0xbc: {  	_ =	sfence  }
0xbd: {  	s30 =	sld [smem:$0x0];
	_ =	sdelay $0x2  }
0xbe: {  	s31 =	sshll.u32 s1, $0xD;
	s1 =	sshrl.u32 s1, $0x2  }
0xbf: {  	s3 =	sand.u32 $0x4000, s31;
	s1 =	sadd.s32 s1, s30  }
0xc0: {  	s0 =	sor.u32 s3, s0;
	s1 =	sshll.u32 s1, $0x11  }
0xc1: {  	s0 =	sor.u32 s1, s0  }
0xc2: {  	s0 =	sadd.s32 $0x8F2B, s0  }
0xc3: {  	[sflag:s0] =	ssyncadd.remote.s32 $0x1  }
0xc4: {  	_ =	sfence.sel $0xFFFF  }
0xc5: {  	[dreg:$0x0] =	wrdreg $0xFFFFFFFF;
	(pc) =	sbr.abs _section_cstart, $3  }
0xc6: {  	[dreg:$0x1] =	wrdreg $0xFFFFFFFF  }
0xc7: {  	_ =	task.clear_ibuf [dreg:s7], $0x2FFFF;
	_ =	strace $0x9FFFFFFF  }
0xc8: {  	(tm) =	ssettm $0x7FFFFFFF  }
0xc9: {  	_ =	shalt  }
tec
execute0_lowered:
.L_overlay_start_1:
0x0: {  	(tag) =	ssettag $0x1  }
0x1: {  	s5 =	rddreg [dreg:$0x0];
	s1 =	srdreg.scid  }
0x2: {  	s0 =	stileid.u32;
	s2 =	rddreg [dreg:$0x1];
	s3 =	simm.s32 $0x0  }
0x3: {  	s11 =	simm.s32 $0x1E0;
	s12 =	simm.s32 $0x4;
	s13 =	simm.s32 $0x50  }
0x4: {  	s14 =	simm.s32 $0xA0;
	s15 =	simm.s32 $0xF0;
	s16 =	simm.s32 $0x140  }
0x5: {  	s17 =	simm.s32 $0x3;
	s4 =	sand.u32 $0x1, s1;
	s6 =	smul.u32 $0x4E20, s0  }
0x6: {  	s18 =	simm.s32 $0x1;
	s19 =	simm.s32 $0x2;
	s7 =	smul.u32 $0x2710, s4  }
0x7: {  	s20 =	simm.s32 $0x190;
	s21 =	simm.s32 $0x0;
	s1 =	rddreg [dreg:$0x2]  }
0x8: {  	[smem:$0x7FF] =	sst s3;
	s8 =	ssub.s32 $0x2, s4;
	s6 =	sadd.s32 s7, s6  }
0x9: {  	_ =	strace $0x8000004A;
	s31 =	sshrl.u32 s8, $0x1;
	s6 =	sshrl.u32 s6, $0x3  }
0xa: {  	s4 =	sadd.s32 $0x15A00, s5;
	s7 =	ssub.s32 s8, s31;
	s10 =	sadd.s32 s6, s5  }
0xb: {  	s5 =	sadd.s32 $0x16000, s5;
	s6 =	smax.u32 s7, $0x1;
	s7 =	sadd.s32 $0x16200, s10  }
0xc: {  	s8 =	sadd.s32 $0x2C2800, s10;
	s9 =	sadd.s32 $0x1E00, s10;
	s10 =	sadd.s32 $0xBC00, s10  }
.LBB2_1:
0xd: {  	[tilespmem:s11], [sflag:$0x4] =	stream.linear.gather [hbm4b:s5+s3], $0x10, $0x38;
	[tilespmem:$0x1F0] =	vst v63  }
0xe: {  	_ =	swait.ge [sflag:s12], $0x10  }
0xf: {  	[sflag:s12] =	ssyncset.done $0x0  }
0x10: {  	s22 =	sadd.s32 $0x0, s10;
	[sflag:s12] =	ssyncadd.s32 $0xFFFFFFF0  }
0x11: {  	v0 =	vld [tilespmem:$0x1E0];
	[tilespmem:s3], [sflag:$0x4] =	stream.linear.gather [hbm4b:s22+s3], $0x50, $0x38  }
0x12: {  	_ =	swait.ge [sflag:s12], $0x50  }
0x13: {  	[sflag:s12] =	ssyncset.done $0x0  }
0x14: {  	s30 =	sadd.s32 $0x0, s9;
	[sflag:s12] =	ssyncadd.s32 $0xFFFFFFB0  }
0x15: {  	[tilespmem:s13], [sflag:$0x4] =	stream.linear.gather [hbm4b:s30+s3], $0x50, $0x38;
	[tilespmem:$0x1F0] =	vst v63  }
0x16: {  	_ =	swait.ge [sflag:s12], $0x50  }
0x17: {  	[sflag:s12] =	ssyncset.done $0x0  }
0x18: {  	s31 =	sadd.s32 $0x0, s8;
	[sflag:s12] =	ssyncadd.s32 $0xFFFFFFB0  }
0x19: {  	[tilespmem:s14], [sflag:$0x3] =	stream.linear.gather [hbm4b:s31+s3], $0x50, $0x38;
	[tilespmem:$0x1F0] =	vst v63  }
0x1a: {  	_ = 	snop  }
0x1b: {  	[tilespmem:s15], [sflag:$0x1] =	stream.indirect.gather [hbm4b:s4+s13], $0x1, s3, s13, $0xb8;
	[tilespmem:$0x1F0] =	vst v63  }
0x1c: {  	_ = 	snop  }
0x1d: {  	[tilespmem:s16], [sflag:$0x2] =	stream.indirect.gather [hbm4b:s2+s13], $0x1, s13, s13, $0xb8;
	[tilespmem:$0x1F0] =	vst v63  }
0x1e: {  	_ =	swait.ge [sflag:s17], $0x50  }
0x1f: {  	[sflag:s17] =	ssyncset.done $0x0  }
0x20: {  	[sflag:s17] =	ssyncadd.s32 $0xFFFFFFB0  }
0x21: {  	_ =	swait.ge [sflag:s18], $0x50  }
0x22: {  	[sflag:s18] =	ssyncset.done $0x0  }
0x23: {  	[sflag:s18] =	ssyncadd.s32 $0xFFFFFFB0  }
0x24: {  	_ =	swait.ge [sflag:s19], $0x50  }
0x25: {  	[sflag:s19] =	ssyncset.done $0x0  }
0x26: {  	[sflag:s19] =	ssyncadd.s32 $0xFFFFFFB0  }
0x27: {  	v1 =	vld [tilespmem:$0xC0]  }
0x28: {  	v4 =	vld [tilespmem:$0xE0]  }
0x29: {  	v8 =	vld [tilespmem:$0x180]  }
0x2a: {  	v9 =	vld [tilespmem:$0x130]  }
0x2b: {  	v2 =	vld [tilespmem:$0x170]  }
0x2c: {  	v5 =	vld [tilespmem:$0x160]  }
0x2d: {  	v3 =	vld [tilespmem:$0xF0]  }
0x2e: {  	v6 =	vld [tilespmem:$0x150]  }
0x2f: {  	s23 =	simm.s32 $0xA;
	s22 =	simm.s32 $0x0;
	v7 =	vld [tilespmem:$0x110]  }
.LBB2_2:
0x30: {  	p0 =	sne.s32 s23, $0x4D8;
	v10 =	vld [tilespmem:$0x100];
	v8 =	vadd.f32 v8, v9;
	s24 =	smov.u32 s23;
	s23 =	sadd.s32 $0xA, s23  }
0x31: {  	v9 =	vld [tilespmem:$0x120]  }
0x32: {  	v11 =	vld [tilespmem:$0x140];
	v4 =	vadd.f32 v4, v8  }
0x33: {  	v8 =	vld [tilespmem:$0xB0]  }
0x34: {  	v12 =	vld [tilespmem:$0xD0];
	v4 =	vadd.f32 v4, v0  }
0x35: {  	v5 =	vadd.f32 v5, v7;
	v13 =	vld [tilespmem:$0xA0]  }
0x36: {  	v6 =	vadd.f32 v6, v10;
	[tilespmem:$0x1D0] =	vst v4  }
0x37: {  	v1 =	vadd.f32 v1, v5;
	v2 =	vadd.f32 v2, v9  }
0x38: {  	v3 =	vadd.f32 v11, v3;
	v4 =	vadd.f32 v8, v6  }
0x39: {  	v1 =	vadd.f32 v1, v0;
	v2 =	vadd.f32 v12, v2  }
0x3a: {  	v3 =	vadd.f32 v13, v3;
	v4 =	vadd.f32 v4, v0  }
0x3b: {  	[tilespmem:$0x1B0] =	vst v1;
	v1 =	vadd.f32 v2, v0  }
0x3c: {  	v2 =	vadd.f32 v3, v0;
	[tilespmem:$0x1A0] =	vst v4  }
0x3d: {  	[tilespmem:$0x1C0] =	vst v1  }
0x3e: {  	s25 =	sadd.s32 s22, s7;
	s22 =	smov.u32 s24;
	[tilespmem:$0x190] =	vst v2  }
0x3f: {  	[hbm4b:s25+s3] =	stream.linear.scatter [tilespmem:s20], [sflag:$0x4], $0x50, $0x38;
	[tilespmem:$0x1F0] =	vst v63  }
0x40: {  	_ =	swait.ge [sflag:s12], $0x50  }
0x41: {  	[sflag:s12] =	ssyncset.done $0x0  }
0x42: {  	s24 =	sadd.s32 s22, s10;
	[sflag:s12] =	ssyncadd.s32 $0xFFFFFFB0  }
0x43: {  	[tilespmem:s3], [sflag:$0x4] =	stream.linear.gather [hbm4b:s24+s3], $0x50, $0x38;
	[tilespmem:$0x1F0] =	vst v63  }
0x44: {  	_ =	swait.ge [sflag:s12], $0x50  }
0x45: {  	[sflag:s12] =	ssyncset.done $0x0  }
0x46: {  	s24 =	sadd.s32 s22, s9;
	[sflag:s12] =	ssyncadd.s32 $0xFFFFFFB0  }
0x47: {  	[tilespmem:s13], [sflag:$0x4] =	stream.linear.gather [hbm4b:s24+s3], $0x50, $0x38;
	[tilespmem:$0x1F0] =	vst v63  }
0x48: {  	_ =	swait.ge [sflag:s12], $0x50  }
0x49: {  	[sflag:s12] =	ssyncset.done $0x0  }
0x4a: {  	s24 =	sadd.s32 s22, s8;
	[sflag:s12] =	ssyncadd.s32 $0xFFFFFFB0  }
0x4b: {  	[tilespmem:s14], [sflag:$0x3] =	stream.linear.gather [hbm4b:s24+s3], $0x50, $0x38;
	[tilespmem:$0x1F0] =	vst v63  }
0x4c: {  	_ = 	snop  }
0x4d: {  	[tilespmem:s15], [sflag:$0x1] =	stream.indirect.gather [hbm4b:s4+s13], $0x1, s3, s13, $0xb8;
	[tilespmem:$0x1F0] =	vst v63  }
0x4e: {  	_ = 	snop  }
0x4f: {  	[tilespmem:s16], [sflag:$0x2] =	stream.indirect.gather [hbm4b:s2+s13], $0x1, s13, s13, $0xb8;
	[tilespmem:$0x1F0] =	vst v63  }
0x50: {  	_ =	swait.ge [sflag:s17], $0x50  }
0x51: {  	[sflag:s17] =	ssyncset.done $0x0  }
0x52: {  	[sflag:s17] =	ssyncadd.s32 $0xFFFFFFB0  }
0x53: {  	_ =	swait.ge [sflag:s18], $0x50  }
0x54: {  	[sflag:s18] =	ssyncset.done $0x0  }
0x55: {  	[sflag:s18] =	ssyncadd.s32 $0xFFFFFFB0  }
0x56: {  	_ =	swait.ge [sflag:s19], $0x50  }
0x57: {  	[sflag:s19] =	ssyncset.done $0x0  }
0x58: {  	[sflag:s19] =	ssyncadd.s32 $0xFFFFFFB0  }
0x59: {  	v1 =	vld [tilespmem:$0xC0]  }
0x5a: {  	v4 =	vld [tilespmem:$0xE0]  }
0x5b: {  	v8 =	vld [tilespmem:$0x180]  }
0x5c: {  	v9 =	vld [tilespmem:$0x130]  }
.Ltmp0:
0x5d: {  	v2 =	vld [tilespmem:$0x170];
	(pc) =	sbr.rel @p0 .LBB2_2-.Ltmp0, $4  }
0x5e: {  	v5 =	vld [tilespmem:$0x160]  }
0x5f: {  	v3 =	vld [tilespmem:$0xF0]  }
0x60: {  	v6 =	vld [tilespmem:$0x150]  }
0x61: {  	v7 =	vld [tilespmem:$0x110]  }
0x62: {  	v10 =	vld [tilespmem:$0x100]  }
0x63: {  	v11 =	vld [tilespmem:$0x120]  }
0x64: {  	v8 =	vadd.f32 v8, v9;
	v58 =	vld [tilespmem:$0x140]  }
0x65: {  	v12 =	vld [tilespmem:$0xB0]  }
0x66: {  	v59 =	vld [tilespmem:$0xD0];
	v4 =	vadd.f32 v4, v8  }
0x67: {  	v13 =	vld [tilespmem:$0xA0];
	v5 =	vadd.f32 v5, v7  }
0x68: {  	v4 =	vadd.f32 v4, v0;
	v6 =	vadd.f32 v6, v10  }
0x69: {  	v2 =	vadd.f32 v2, v11;
	v1 =	vadd.f32 v1, v5  }
0x6a: {  	v3 =	vadd.f32 v58, v3;
	v60 =	vadd.f32 v12, v6  }
0x6b: {  	v2 =	vadd.f32 v59, v2;
	v1 =	vadd.f32 v1, v0  }
0x6c: {  	[tilespmem:$0x1D0] =	vst v4;
	v3 =	vadd.f32 v13, v3;
	v61 =	vadd.f32 v60, v0  }
0x6d: {  	v62 =	vadd.f32 v2, v0;
	[tilespmem:$0x1B0] =	vst v1  }
0x6e: {  	s21 =	sadd.s32 $0x1, s21;
	v63 =	vadd.f32 v3, v0;
	[tilespmem:$0x1A0] =	vst v61  }
0x6f: {  	p0 =	sne.s32 s21, s6;
	[tilespmem:$0x1C0] =	vst v62  }
.Ltmp1:
0x70: {  	s22 =	sadd.s32 s22, s7;
	[tilespmem:$0x190] =	vst v63;
	(pc) =	sbr.rel @p0 .LBB2_1-.Ltmp1, $4  }
0x71: {  	[hbm4b:s22+s3] =	stream.linear.scatter [tilespmem:s20], [sflag:$0x4], $0x50, $0x38;
	[tilespmem:$0x1F0] =	vst v63  }
0x72: {  	_ =	swait.ge [sflag:s12], $0x50  }
0x73: {  	[sflag:s12] =	ssyncset.done $0x0  }
0x74: {  	[sflag:s12] =	ssyncadd.s32 $0xFFFFFFB0  }
0x75: {  	_ =	sfence.sel $0x180000  }
0x76: {  	[bflag:$0x0] =	sbarrier.arrive $0xFFFF  }
0x77: {  	p0 =	sne.s32 s0, $0x0;
	_ =	strace $0x9000004A  }
0x78: {  	s0 =	sadd.s32 @!p0 $0x100000, s1;
	[bflag:$0x2] =	sbarrier.arrive $0xFFFF  }
0x79: {  	[sflag:s0] =	ssyncadd.tile.s32 @!p0 $0x1;
	_ =	shalt  }
.Lfunc_end2:
_tile_overlayer_lowered:
.L_overlay_start_2:
0x7a: {  	(tag) =	ssettag $0x2  }
0x7b: {  	s0 =	rddreg [dreg:$0x0];
	s2 =	stileid.u32  }
0x7c: {  	s1 =	rddreg [dreg:$0x1];
	p0 =	sne.s32 s2, $0x0  }
0x7d: {  	s3 =	rddreg [dreg:$0x2];
	[bflag:$0x3] =	sbarrier.arrive $0xFFFF;
	s2 =	simm.s32 @!p0 $0x1C04  }
0x7e: {  	[timem:s3], [sflag:s2] =	dma.local @!p0 [hbm:s0], s1  }
0x7f: {  	s0 =	simm.s32 @!p0 $0x4  }
0x80: {  	_ =	swait.ge @!p0 [sflag:s0], s1  }
0x81: {  	s1 =	ssub.s32 @!p0 $0x0, s1;
	[sflag:s0] =	ssyncset.done @!p0 $0x0  }
0x82: {  	[sflag:s0] =	ssyncadd.s32 @!p0 s1  }
0x83: {  	[bflag:$0x3] =	sbarrier.arrive $0xFFFF  }
0x84: {  	_ =	shalt  }

// kernel: kernel.7.cloned.1.call-start
scs
__scs_entry_jumppad:
0x0: {  	(pc) =	sbr.rel $0x88, $3  }
0x1: {  	(tag) =	ssettag $0x0;
	lr =	simm.s32 $0x1  }
0x2: {  	[smem:$0x3F93] =	sst lr;
	_ =	strace $0xD0000000  }
0x3: {  	_ = 	snop  }
0x4: {  	_ = 	snop  }
0x5: {  	_ = 	snop  }
0x6: {  	_ = 	snop  }
0x7: {  	_ = 	snop  }
__scs_overlays_trampoline_lowered:
0x8: {  	[smem:$0x3FA2] =	sst s0  }
0x9: {  	[smem:$0x3FA3] =	sst s1  }
0xa: {  	[smem:$0x3FA4] =	sst s2  }
0xb: {  	[smem:$0x3FA5] =	sst s3  }
0xc: {  	[smem:$0x3FA6] =	sst s4  }
0xd: {  	[smem:$0x3FA7] =	sst s5  }
0xe: {  	[smem:$0x3FA8] =	sst s6  }
0xf: {  	[smem:$0x3FA9] =	sst s7  }
0x10: {  	[smem:$0x3FAA] =	sst s8  }
0x11: {  	[smem:$0x3FAB] =	sst s9;
	s0 =	simm.s32 @!p0 $0x0  }
0x12: {  	s1 =	sld [smem:$0x3F91];
	s0 =	simm.s32 @p0 $0x1  }
0x13: {  	[smem:$0x3FAC] =	sst s0;
	s0 =	simm.s32 @!p1 $0x0  }
0x14: {  	s2 =	sld [smem:$0x3F90];
	s0 =	simm.s32 @p1 $0x1  }
0x15: {  	[smem:$0x3FAD] =	sst s0;
	s0 =	simm.s32 @!p2 $0x0  }
0x16: {  	s3 =	sld [smem:$0x3FDB];
	s0 =	simm.s32 @p2 $0x1  }
0x17: {  	s4 =	simm.s32 $0x1BF5;
	[smem:$0x3FAF] =	sst s0  }
0x18: {  	s0 =	sld [smem:$0x3F92];
	_ =	swait.ge [sflag:s4], $0x0  }
0x19: {  	s7 =	sld [smem:$0x3F93]  }
0x1a: {  	s8 =	sadd.s32 $0xFFFFE003, lr  }
0x1b: {  	s9 =	sadd.s32 $0xFFFFFEF7, lr;
	s5 =	simm.s32 $0xFFFFFFFF;
	p2 =	slt.u32 s8, $0xFFFFF086  }
0x1c: {  	p1 =	slt.u32 s9, $0xF7A;
	s5 =	simm.s32 @!p2 $0x0  }
0x1d: {  	s5 =	simm.s32 @p1 $0x1;
	p0 =	seq.s32 s7, s2  }
0x1e: {  	s7 =	smul.u32 @!p0 $0xF7A, s2;
	p2 =	seq.s32 @!p0 s5, $0x0  }
0x1f: {  	s9 =	smul.u32 $0xF7A, s1;
	s8 =	simm.s32 @!p0 $0x1BF5;
	p2 =	por !p2, p0  }
0x20: {  	[sflag:s8] =	ssyncset.s32 @!p0 $0xFFFFF086;
	s6 =	sadd.s32 @!p0 s3, s7;
	s7 =	simm.s32 @!p0 $0x108  }
0x21: {  	s3 =	sadd.s32 s3, s9;
	s6 =	sadd.s32 @!p0 $0x88, s6;
	s7 =	simm.s32 @p2 $0x1082  }
0x22: {  	[simem:s7], [sflag:s8] =	dma.local @!p0 [hbm:s6], $0xF7A  }
0x23: {  	s9 =	sor.u32 $0xD0000000, s2;
	s6 =	simm.s32 $0x108;
	_ =	swait.ge @!p0 [sflag:s8], $0x0  }
0x24: {  	s3 =	sadd.s32 $0x88, s3;
	s6 =	simm.s32 @!p1 $0x1082;
	[sflag:s4] =	ssyncset.s32 $0xFFFFF086  }
0x25: {  	[simem:s6], [sflag:s4] =	dma.local [hbm:s3], $0xF7A  }
0x26: {  	[smem:$0x3F93] =	sst s1;
	(tag) =	ssettag s2;
	_ =	strace s9  }
0x27: {  	s1 =	sld [smem:$0x3FA3]  }
0x28: {  	s2 =	sld [smem:$0x3FA4]  }
0x29: {  	s4 =	sld [smem:$0x3FA6]  }
0x2a: {  	p0 =	seq.s32 s5, $0x0;
	s5 =	sld [smem:$0x3FA7]  }
0x2b: {  	s6 =	sld [smem:$0x3FA8]  }
0x2c: {  	s7 =	sld [smem:$0x3FA9]  }
0x2d: {  	s3 =	simm.s32 $0x108;
	s8 =	sld [smem:$0x3FAA]  }
0x2e: {  	s3 =	simm.s32 @!p0 $0x1082;
	s9 =	sld [smem:$0x3FAB]  }
0x2f: {  	lr =	sadd.s32 s0, s3;
	s0 =	sld [smem:$0x3FA2]  }
0x30: {  	s3 =	sld [smem:$0x3FA5]  }
0x31: {  	[smem:$0x3FAE] =	sst s10  }
0x32: {  	s10 =	sld [smem:$0x3FAC];
	_ =	sdelay $0x3  }
0x33: {  	p0 =	seq.s32 s10, $0x1;
	s10 =	sld [smem:$0x3FAE];
	_ =	sdelay $0x3  }
0x34: {  	[smem:$0x3FAE] =	sst s10  }
0x35: {  	s10 =	sld [smem:$0x3FAD];
	_ =	sdelay $0x3  }
0x36: {  	p1 =	seq.s32 s10, $0x1;
	s10 =	sld [smem:$0x3FAE];
	_ =	sdelay $0x3  }
0x37: {  	[smem:$0x3FAE] =	sst s10  }
0x38: {  	s10 =	sld [smem:$0x3FAF]  }
0x39: {  	_ = 	snop;
	(pc) =	sbr.ind lr, $3  }
0x3a: {  	_ = 	snop  }
0x3b: {  	_ = 	snop  }
0x3c: {  	p2 =	seq.s32 s10, $0x1;
	s10 =	sld [smem:$0x3FAE]  }
0x3d: {  	_ =	shalt  }
0x3e: {  	_ =	shalt  }
0x3f: {  	_ =	shalt  }
0x40: {  	_ =	shalt  }
0x41: {  	_ =	shalt  }
0x42: {  	_ =	shalt  }
0x43: {  	_ =	shalt  }
0x44: {  	_ =	shalt  }
0x45: {  	_ =	shalt  }
0x46: {  	_ =	shalt  }
0x47: {  	_ =	shalt  }
0x48: {  	_ =	shalt  }
0x49: {  	_ =	shalt  }
0x4a: {  	_ =	shalt  }
0x4b: {  	_ =	shalt  }
0x4c: {  	_ =	shalt  }
0x4d: {  	_ =	shalt  }
0x4e: {  	_ =	shalt  }
0x4f: {  	_ =	shalt  }
0x50: {  	_ =	shalt  }
0x51: {  	_ =	shalt  }
0x52: {  	_ =	shalt  }
0x53: {  	_ =	shalt  }
0x54: {  	_ =	shalt  }
0x55: {  	_ =	shalt  }
0x56: {  	_ =	shalt  }
0x57: {  	_ =	shalt  }
0x58: {  	_ =	shalt  }
0x59: {  	_ =	shalt  }
0x5a: {  	_ =	shalt  }
0x5b: {  	_ =	shalt  }
0x5c: {  	_ =	shalt  }
0x5d: {  	_ =	shalt  }
0x5e: {  	_ =	shalt  }
0x5f: {  	_ =	shalt  }
0x60: {  	_ =	shalt  }
0x61: {  	_ =	shalt  }
0x62: {  	_ =	shalt  }
0x63: {  	_ =	shalt  }
0x64: {  	_ =	shalt  }
0x65: {  	_ =	shalt  }
0x66: {  	_ =	shalt  }
0x67: {  	_ =	shalt  }
0x68: {  	_ =	shalt  }
0x69: {  	_ =	shalt  }
0x6a: {  	_ =	shalt  }
0x6b: {  	_ =	shalt  }
0x6c: {  	_ =	shalt  }
0x6d: {  	_ =	shalt  }
0x6e: {  	_ =	shalt  }
0x6f: {  	_ =	shalt  }
0x70: {  	_ =	shalt  }
0x71: {  	_ =	shalt  }
0x72: {  	_ =	shalt  }
0x73: {  	_ =	shalt  }
0x74: {  	_ =	shalt  }
0x75: {  	_ =	shalt  }
0x76: {  	_ =	shalt  }
0x77: {  	_ =	shalt  }
0x78: {  	_ =	shalt  }
0x79: {  	_ =	shalt  }
0x7a: {  	_ =	shalt  }
0x7b: {  	_ =	shalt  }
0x7c: {  	_ =	shalt  }
0x7d: {  	_ =	shalt  }
0x7e: {  	_ =	shalt  }
0x7f: {  	_ =	shalt  }
0x80: {  	_ =	shalt  }
0x81: {  	_ =	shalt  }
0x82: {  	_ =	shalt  }
0x83: {  	_ =	shalt  }
0x84: {  	_ =	shalt  }
0x85: {  	_ =	shalt  }
0x86: {  	_ =	shalt  }
0x87: {  	_ =	shalt  }
.Lfunc_end0:
.L_simem_size_0:
called_computation_lowered:
.L_overlay_start_0:
0x88: {  	s2 =	sld [smem:$0x3FD9]  }
0x89: {  	s3 =	sld [smem:$0x3FFE];
	_ =	sdelay $0x1  }
0x8a: {  	s1 =	srdreg.scid  }
0x8b: {  	s0 =	sand.u32 $0x1, s1  }
0x8c: {  	s14 =	sshll.u32 s0, $0xA;
	s2 =	sadd.s32 s3, s2  }
0x8d: {  	s2 =	sadd.s32 s2, s14  }
0x8e: {  	[smem:$0x3FBA] =	sst s2  }
0x8f: {  	_ = 	snop  }
0x90: {  	s2 =	sld [smem:$0x3FD0];
	_ =	sdelay $0x2  }
0x91: {  	s15 =	simm.s32 $0xA;
	s4 =	simm.s32 $0x10  }
0x92: {  	[smem:s4], [sflag:s15] =	dma.local [hbm:s2], $0x1  }
0x93: {  	_ =	swait.eq [sflag:s15], $0x1  }
0x94: {  	[sflag:s15] =	ssyncset.done $0x0  }
0x95: {  	[sflag:s15] =	ssyncadd.s32 $0xFFFFFFFF  }
0x96: {  	s16 =	sld [smem:$0x10];
	(tm) =	ssettm $0x1  }
0x97: {  	s17 =	sld [smem:$0x3FFB];
	_ =	sdelay $0x3  }
0x98: {  	_ =	strace s17  }
0x99: {  	s3 =	sld [smem:$0x3FFC];
	_ =	sdelay $0x3  }
0x9a: {  	_ =	strace s3  }
0x9b: {  	s3 =	sld [smem:$0x3FFD];
	_ =	sdelay $0x3  }
0x9c: {  	_ =	strace s3  }
0x9d: {  	_ =	strace $0x8FFFFFFF  }
0x9e: {  	s18 =	sld [smem:$0x3FDB];
	_ =	sdelay $0x1  }
0x9f: {  	s19 =	simm.s32 $_scs_section_size  }
0xa0: {  	s5 =	simm.s32 $_size__tile_overlayer_lowered;
	s6 =	simm.s32 $_tile_overlayer_lowered  }
0xa1: {  	s22 =	simm.s32 $0x1BFF;
	s21 =	sshll.u32 s6, $0x1;
	s3 =	sadd.s32 s19, s18  }
0xa2: {  	s7 =	simm.s32 $0x0;
	s20 =	sshll.u32 s5, $0x1;
	s5 =	sadd.s32 s21, s3  }
0xa3: {  	[timem:s7], [sflag:s22] =	dma.local [hbm:s5], s20  }
0xa4: {  	_ =	swait.ge [sflag:s22], s20  }
0xa5: {  	s4 =	ssub.s32 $0x0, s20;
	[sflag:s22] =	ssyncset.done $0x0  }
0xa6: {  	[sflag:s22] =	ssyncadd.s32 s4;
	_ =	sdelay $0x1  }
0xa7: {  	s23 =	simm.s32 $0x1B8B  }
0xa8: {  	_ =	swait.ge [sflag:s23], $0x1  }
0xa9: {  	[sflag:s23] =	ssyncset.done $0x0  }
0xaa: {  	s25 =	simm.s32 $0x1B8E;
	s24 =	sld [smem:$0x3FFE];
	[sflag:s23] =	ssyncadd.s32 $0xFFFFFFFF  }
0xab: {  	s26 =	simm.s32 $execute0_lowered;
	[smem:$0x3FD2] =	sst s25  }
0xac: {  	s5 =	sshll.u32 s26, $0x1;
	_ =	strace $0x80000046;
	[dreg:$0x1] =	wrdreg $0xFFFFFFFF  }
0xad: {  	s28 =	simm.s32 $_size_execute0_lowered;
	s3 =	sadd.s32 s3, s5;
	[dreg:$0x0] =	wrdreg $0x0  }
0xae: {  	s5 =	sshll.u32 s28, $0x1;
	[dreg:$0x2] =	wrdreg s3  }
0xaf: {  	[dreg:$0x3] =	wrdreg s5  }
0xb0: {  	[dreg:$0x4] =	wrdreg $0xC0  }
0xb1: {  	_ =	task [dreg:s7], $0x5FFFF  }
0xb2: {  	[dreg:$0x1] =	wrdreg $0xFFFFFFFF  }
0xb3: {  	[dreg:$0x0] =	wrdreg $0x60  }
0xb4: {  	[dreg:$0x2] =	wrdreg s16  }
0xb5: {  	[dreg:$0x3] =	wrdreg s24  }
0xb6: {  	[dreg:$0x4] =	wrdreg $0x0  }
0xb7: {  	[dreg:$0x5] =	wrdreg $0x9  }
0xb8: {  	_ =	task.clear_ibuf [dreg:s7], $0x6FFFF;
	_ =	strace $0x90000046  }
0xb9: {  	s29 =	simm.s32 $0x9;
	_ =	strace $0x80000048  }
0xba: {  	_ =	swait.ge [sflag:s29], $0x1  }
0xbb: {  	[sflag:s29] =	ssyncadd.s32 $0xFFFFFFFF  }
0xbc: {  	_ =	strace $0x90000048  }
0xbd: {  	_ =	sfence  }
0xbe: {  	s30 =	sld [smem:$0x0];
	_ =	sdelay $0x2  }
0xbf: {  	s31 =	sshll.u32 s1, $0xD;
	s1 =	sshrl.u32 s1, $0x2  }
0xc0: {  	s3 =	sand.u32 $0x4000, s31;
	s1 =	sadd.s32 s1, s30  }
0xc1: {  	s0 =	sor.u32 s3, s0;
	s1 =	sshll.u32 s1, $0x11  }
0xc2: {  	s0 =	sor.u32 s1, s0  }
0xc3: {  	s0 =	sadd.s32 $0x8F2B, s0  }
0xc4: {  	[sflag:s0] =	ssyncadd.remote.s32 $0x1  }
0xc5: {  	_ =	sfence.sel $0xFFFF  }
0xc6: {  	[dreg:$0x0] =	wrdreg $0xFFFFFFFF;
	(pc) =	sbr.abs _section_cstart, $3  }
0xc7: {  	[dreg:$0x1] =	wrdreg $0xFFFFFFFF  }
0xc8: {  	_ =	task.clear_ibuf [dreg:s7], $0x2FFFF;
	_ =	strace $0x9FFFFFFF  }
0xc9: {  	(tm) =	ssettm $0x7FFFFFFF  }
tec
execute0_lowered:
.L_overlay_start_1:
0x0: {  	(tag) =	ssettag $0x1  }
0x1: {  	s1 =	rddreg [dreg:$0x0]  }
0x2: {  	s0 =	rddreg [dreg:$0x1]  }
0x3: {  	s2 =	rddreg [dreg:$0x2]  }
0x4: {  	s3 =	srdreg.scid;
	s4 =	simm.s32 $0x0;
	s14 =	stileid.u32  }
0x5: {  	s24 =	simm.s32 $0xA000;
	s28 =	simm.s32 $0xB500;
	s29 =	simm.s32 $0x50  }
0x6: {  	s30 =	simm.s32 $0xA100;
	s31 =	simm.s32 $0xA0A0;
	s3 =	sand.u32 $0x1, s3  }
0x7: {  	[smem:$0x7FF] =	sst s4;
	s11 =	smul.u32 $0xA000, s14;
	s5 =	sadd.s32 $0x15A00, s0  }
0x8: {  	s6 =	sadd.s32 $0xBC00, s0;
	s13 =	sshll.u32 s14, $0x1;
	s14 =	smul.u32 $0x28000, s14  }
0x9: {  	s7 =	sadd.s32 $0x1E00, s0;
	s9 =	sadd.s32 $0x29A400, s0;
	s8 =	smul.u32 $0xA0000, s3  }
0xa: {  	_ =	strace $0x80000047;
	[dreg:$0x4] =	wrdreg s9;
	s10 =	ssub.s32 $0x2, s3  }
0xb: {  	s9 =	sadd.s32 $0x286A00, s0;
	s3 =	sor.u32 s3, s13;
	s12 =	sshrl.u32 s10, $0x1  }
0xc: {  	s22 =	sshrl.u32 s14, $0x2;
	s23 =	sadd.s32 s11, s2;
	s8 =	sadd.s32 s11, s8  }
0xd: {  	s21 =	ssub.s32 s10, s12;
	s10 =	smul.u32 $0x2710, s3;
	s13 =	sadd.s32 s22, s2  }
0xe: {  	s22 =	simm.s32 $0x4;
	s3 =	simm.s32 $0x2;
	s8 =	sshrl.u32 s8, $0x3  }
0xf: {  	s25 =	sadd.s32 $0x2800, s13;
	s26 =	sadd.s32 $0x3C00, s13;
	s17 =	sadd.s32 $0x5000, s13  }
0x10: {  	s18 =	sadd.s32 $0x6400, s13;
	s19 =	sadd.s32 $0x7800, s13;
	s20 =	sadd.s32 $0x8C00, s13  }
0x11: {  	s0 =	sadd.s32 s8, s0;
	s8 =	smax.u32 s21, $0x1;
	[dreg:$0x8] =	wrdreg s25  }
0x12: {  	[dreg:$0x9] =	wrdreg s26;
	s21 =	simm.s32 $0xDD00;
	s25 =	sshrl.u32 s23, $0x3  }
0x13: {  	s26 =	simm.s32 $0xA050;
	s0 =	sadd.s32 $0x29A600, s0;
	[dreg:$0x6] =	wrdreg s8  }
0x14: {  	s23 =	simm.s32 $0x1;
	[dreg:$0x5] =	wrdreg s0;
	s0 =	sadd.s32 $0x1400, s13  }
0x15: {  	v0 =	vimm.f32 $0.0e+00;
	s8 =	simm.s32 $0x3;
	[dreg:$0x7] =	wrdreg s0;
	s0 =	simm.s32 $0xC900  }
.LBB2_1:
0x16: {  	s12 =	simm.s32 $0x100;
	s11 =	simm.s32 $0x0  }
.LBB2_2:
0x17: {  	p0 =	sne.s32 s12, $0x4F00;
	[tilespmem:s11+$0xDD30] =	vst v0;
	s14 =	smov.u32 s12;
	s12 =	sadd.s32 $0x100, s12  }
.Ltmp0:
0x18: {  	[tilespmem:s11+$0xDD20] =	vst v0;
	(pc) =	sbr.rel @p0 .LBB2_2-.Ltmp0, $3  }
0x19: {  	[tilespmem:s11+$0xDD00] =	vst v0  }
0x1a: {  	[tilespmem:s11+$0xDD10] =	vst v0;
	_ =	sdelay $0x1  }
0x1b: {  	s11 =	sshra.s32 s14, $0x2  }
0x1c: {  	[tilespmem:s11+$0xDD30] =	vst v0  }
0x1d: {  	[tilespmem:s11+$0xDD20] =	vst v0  }
0x1e: {  	[tilespmem:s11+$0xDD00] =	vst v0  }
0x1f: {  	[tilespmem:s11+$0xDD10] =	vst v0  }
0x20: {  	[spmem:s13] =	stream.linear.scatter [tilespmem:s21], [sflag:$0x4], $0x1400, $0x38;
	[tilespmem:$0xF100] =	vst v63  }
0x21: {  	_ =	swait.ge [sflag:s22], $0x1400  }
0x22: {  	[sflag:s22] =	ssyncset.done $0x0  }
0x23: {  	s14 =	rddreg [dreg:$0x7];
	[sflag:s22] =	ssyncadd.s32 $0xFFFFEC00  }
0x24: {  	[spmem:s14] =	stream.linear.scatter [tilespmem:s21], [sflag:$0x4], $0x1400, $0x38;
	[tilespmem:$0xF100] =	vst v63  }
0x25: {  	_ =	swait.ge [sflag:s22], $0x1400  }
0x26: {  	[sflag:s22] =	ssyncset.done $0x0  }
0x27: {  	s15 =	rddreg [dreg:$0x8];
	[sflag:s22] =	ssyncadd.s32 $0xFFFFEC00  }
0x28: {  	[spmem:s15] =	stream.linear.scatter [tilespmem:s21], [sflag:$0x4], $0x1400, $0x38;
	[tilespmem:$0xF100] =	vst v63  }
0x29: {  	_ =	swait.ge [sflag:s22], $0x1400  }
0x2a: {  	[sflag:s22] =	ssyncset.done $0x0  }
0x2b: {  	s16 =	rddreg [dreg:$0x9];
	[sflag:s22] =	ssyncadd.s32 $0xFFFFEC00  }
0x2c: {  	[spmem:s16] =	stream.linear.scatter [tilespmem:s21], [sflag:$0x4], $0x1400, $0x38;
	[tilespmem:$0xF100] =	vst v63  }
0x2d: {  	_ =	swait.ge [sflag:s22], $0x1400  }
0x2e: {  	[sflag:s22] =	ssyncset.done $0x0  }
0x2f: {  	[sflag:s22] =	ssyncadd.s32 $0xFFFFEC00  }
0x30: {  	[spmem:s17] =	stream.linear.scatter [tilespmem:s21], [sflag:$0x4], $0x1400, $0x38;
	[tilespmem:$0xF100] =	vst v63  }
0x31: {  	_ =	swait.ge [sflag:s22], $0x1400  }
0x32: {  	[sflag:s22] =	ssyncset.done $0x0  }
0x33: {  	[sflag:s22] =	ssyncadd.s32 $0xFFFFEC00  }
0x34: {  	[spmem:s18] =	stream.linear.scatter [tilespmem:s21], [sflag:$0x4], $0x1400, $0x38;
	[tilespmem:$0xF100] =	vst v63  }
0x35: {  	_ =	swait.ge [sflag:s22], $0x1400  }
0x36: {  	[sflag:s22] =	ssyncset.done $0x0  }
0x37: {  	[sflag:s22] =	ssyncadd.s32 $0xFFFFEC00  }
0x38: {  	[spmem:s19] =	stream.linear.scatter [tilespmem:s21], [sflag:$0x4], $0x1400, $0x38;
	[tilespmem:$0xF100] =	vst v63  }
0x39: {  	_ =	swait.ge [sflag:s22], $0x1400  }
0x3a: {  	[sflag:s22] =	ssyncset.done $0x0  }
0x3b: {  	[sflag:s22] =	ssyncadd.s32 $0xFFFFEC00  }
0x3c: {  	[spmem:s20] =	stream.linear.scatter [tilespmem:s21], [sflag:$0x4], $0x1400, $0x38;
	[tilespmem:$0xF100] =	vst v63  }
0x3d: {  	_ =	swait.ge [sflag:s22], $0x1400  }
0x3e: {  	[sflag:s22] =	ssyncset.done $0x0  }
0x3f: {  	[sflag:s22] =	ssyncadd.s32 $0xFFFFEC00  }
0x40: {  	[bflag:$0x0] =	sbarrier.arrive $0xFFFF  }
0x41: {  	s11 =	simm.s32 $0x0;
	s14 =	simm.s32 $0xA0F0;
	s12 =	rddreg [dreg:$0x4]  }
0x42: {  	[tilespmem:s14], [sflag:$0x4] =	stream.linear.gather [hbm4b:s12+s11], $0x10, $0x38;
	[tilespmem:$0xF100] =	vst v63  }
0x43: {  	_ =	swait.ge [sflag:s22], $0x10  }
0x44: {  	[sflag:s22] =	ssyncset.done $0x0  }
0x45: {  	[sflag:s22] =	ssyncadd.s32 $0xFFFFFFF0  }
0x46: {  	s12 =	simm.s32 $0x0;
	v1 =	vld [tilespmem:$0xA0F0]  }
.LBB2_4:
0x47: {  	s14 =	smul.u32 $0x50, s12;
	_ =	sdelay $0x1  }
0x48: {  	s14 =	sadd.s32 s10, s14  }
0x49: {  	s15 =	sshrl.u32 s14, $0x3  }
0x4a: {  	s16 =	sadd.s32 s6, s15  }
0x4b: {  	[tilespmem:s24], [sflag:$0x4] =	stream.linear.gather [hbm4b:s16+s11], $0x50, $0x38;
	[tilespmem:$0xF100] =	vst v63  }
0x4c: {  	_ =	swait.ge [sflag:s22], $0x50  }
0x4d: {  	[sflag:s22] =	ssyncset.done $0x0  }
0x4e: {  	s15 =	sadd.s32 s7, s15;
	[sflag:s22] =	ssyncadd.s32 $0xFFFFFFB0  }
0x4f: {  	[tilespmem:s26], [sflag:$0x4] =	stream.linear.gather [hbm4b:s15+s11], $0x50, $0x38;
	[tilespmem:$0xF100] =	vst v63  }
0x50: {  	_ =	swait.ge [sflag:s22], $0x50  }
0x51: {  	s14 =	sshll.u32 s14, $0x3;
	[sflag:s22] =	ssyncset.done $0x0  }
0x52: {  	s14 =	sadd.s32 s5, s14;
	[sflag:s22] =	ssyncadd.s32 $0xFFFFFFB0  }
0x53: {  	[tilespmem:s28], [sflag:$0x2] =	stream.linear.gather [hbm4b:s14+s11], $0x1400, $0x38;
	[tilespmem:$0xF100] =	vst v63  }
0x54: {  	_ = 	snop  }
0x55: {  	[tilespmem:s30], [sflag:$0x1] =	stream.indirect.gather [hbm4b:s1+s29], $0x40, s24, s29, $0xb8;
	[tilespmem:$0xF100] =	vst v63  }
0x56: {  	v2 =	vld [tilespmem:$0xA000]  }
0x57: {  	v3 =	vld [tilespmem:$0xA010]  }
0x58: {  	v4 =	vld [tilespmem:$0xA020]  }
0x59: {  	v5 =	vld [tilespmem:$0xA030]  }
0x5a: {  	v6 =	vld [tilespmem:$0xA040]  }
0x5b: {  	v2 =	vsub.s32 v2, v1  }
0x5c: {  	[tilespmem:$0xA0A0] =	vst v2;
	v2 =	vsub.s32 v3, v1  }
0x5d: {  	[tilespmem:$0xA0B0] =	vst v2;
	v2 =	vsub.s32 v4, v1  }
0x5e: {  	[tilespmem:$0xA0C0] =	vst v2;
	v2 =	vsub.s32 v5, v1  }
0x5f: {  	[tilespmem:$0xA0D0] =	vst v2;
	v2 =	vsub.s32 v6, v1  }
0x60: {  	[tilespmem:$0xA0E0] =	vst v2  }
0x61: {  	[tilespmem:s0], [sflag:$0x3] =	stream.indirect.gather [hbm4b:s9+s29], $0x40, s31, s29, $0xb8;
	[tilespmem:$0xF100] =	vst v63  }
0x62: {  	_ =	swait.ge [sflag:s3], $0x1400  }
0x63: {  	[sflag:s3] =	ssyncset.done $0x0  }
0x64: {  	[sflag:s3] =	ssyncadd.s32 $0xFFFFEC00  }
0x65: {  	_ =	swait.ge [sflag:s23], $0x1400  }
0x66: {  	[sflag:s23] =	ssyncset.done $0x0  }
0x67: {  	[sflag:s23] =	ssyncadd.s32 $0xFFFFEC00  }
0x68: {  	_ =	swait.ge [sflag:s8], $0x1400  }
0x69: {  	[sflag:s8] =	ssyncset.done $0x0  }
0x6a: {  	s14 =	simm.s32 $0x0;
	[sflag:s8] =	ssyncadd.s32 $0xFFFFEC00  }
0x6b: {  	v2 =	vld [tilespmem:s14+$0xA130]  }
0x6c: {  	v3 =	vld [tilespmem:s14+$0xB530]  }
0x6d: {  	v5 =	vld [tilespmem:s14+$0xA100]  }
0x6e: {  	v8 =	vld [tilespmem:s14+$0xB500]  }
0x6f: {  	v6 =	vld [tilespmem:s14+$0xC930]  }
0x70: {  	v9 =	vld [tilespmem:s14+$0xA110]  }
0x71: {  	v10 =	vld [tilespmem:s14+$0xB510];
	v2 =	vadd.f32 v3, v2  }
0x72: {  	v4 =	vld [tilespmem:s14+$0xB520]  }
0x73: {  	v3 =	vld [tilespmem:s14+$0xA120];
	v2 =	vmax.f32 v2, $0.0e+00  }
0x74: {  	v7 =	vld [tilespmem:s14+$0xC900];
	v2 =	vmul.f32 v2, v6  }
0x75: {  	v8 =	vadd.f32 v8, v5;
	v6 =	vld [tilespmem:s14+$0xC910]  }
0x76: {  	s15 =	simm.s32 $0x40;
	v5 =	vld [tilespmem:s14+$0xC920];
	v9 =	vadd.f32 v10, v9;
	[tilespmem:s14+$0xDD30] =	vst v2  }
0x77: {  	s16 =	simm.s32 $0x200;
	v8 =	vmax.f32 v8, $0.0e+00;
	v2 =	vld [tilespmem:s15+$0xA130]  }
.LBB2_5:
0x78: {  	p0 =	sne.s32 s16, $0x4F00;
	v10 =	vld [tilespmem:s15+$0xB530];
	v9 =	vmax.f32 v9, $0.0e+00;
	v3 =	vadd.f32 v4, v3  }
0x79: {  	v4 =	vld [tilespmem:s15+$0xA100];
	v7 =	vmul.f32 v8, v7  }
0x7a: {  	v8 =	vld [tilespmem:s15+$0xB500];
	v6 =	vmul.f32 v9, v6;
	v3 =	vmax.f32 v3, $0.0e+00  }
0x7b: {  	v9 =	vld [tilespmem:s15+$0xC930];
	[tilespmem:s14+$0xDD00] =	vst v7;
	v3 =	vmul.f32 v3, v5  }
0x7c: {  	v5 =	vld [tilespmem:s15+$0xA110];
	[tilespmem:s14+$0xDD10] =	vst v6  }
0x7d: {  	v11 =	vld [tilespmem:s15+$0xB510];
	v2 =	vadd.f32 v10, v2;
	[tilespmem:s14+$0xDD20] =	vst v3;
	s14 =	smov.u32 s15  }
0x7e: {  	v3 =	vld [tilespmem:s14+$0xA120]  }
.Ltmp1:
0x7f: {  	v6 =	vadd.f32 v8, v4;
	v4 =	vld [tilespmem:s14+$0xB520];
	v2 =	vmax.f32 v2, $0.0e+00;
	(pc) =	sbr.rel @p0 .LBB2_5-.Ltmp1, $4  }
0x80: {  	v7 =	vld [tilespmem:s14+$0xC900];
	v2 =	vmul.f32 v2, v9  }
0x81: {  	v8 =	vmax.f32 v6, $0.0e+00;
	v6 =	vld [tilespmem:s14+$0xC910]  }
0x82: {  	s15 =	sshra.s32 s16, $0x2;
	v9 =	vadd.f32 v11, v5;
	v5 =	vld [tilespmem:s14+$0xC920];
	[tilespmem:s14+$0xDD30] =	vst v2  }
0x83: {  	s16 =	sadd.s32 $0x100, s16;
	v2 =	vld [tilespmem:s15+$0xA130]  }
0x84: {  	v10 =	vld [tilespmem:s15+$0xB530];
	v3 =	vadd.f32 v4, v3  }
0x85: {  	v11 =	vld [tilespmem:s15+$0xA100];
	v9 =	vmax.f32 v9, $0.0e+00;
	v7 =	vmul.f32 v8, v7  }
0x86: {  	v57 =	vld [tilespmem:s15+$0xB500];
	v6 =	vmul.f32 v9, v6;
	v3 =	vmax.f32 v3, $0.0e+00  }
0x87: {  	v58 =	vld [tilespmem:s15+$0xC930];
	[tilespmem:s14+$0xDD00] =	vst v7;
	v3 =	vmul.f32 v3, v5  }
0x88: {  	v7 =	vld [tilespmem:s15+$0xA110];
	[tilespmem:s14+$0xDD10] =	vst v6  }
0x89: {  	v59 =	vld [tilespmem:s15+$0xB510];
	[tilespmem:s14+$0xDD20] =	vst v3  }
0x8a: {  	v3 =	vld [tilespmem:s15+$0xA120]  }
0x8b: {  	v6 =	vld [tilespmem:s15+$0xB520]  }
0x8c: {  	v60 =	vld [tilespmem:s15+$0xC900]  }
0x8d: {  	v2 =	vadd.f32 v10, v2;
	v61 =	vld [tilespmem:s15+$0xC910]  }
0x8e: {  	v8 =	vadd.f32 v57, v11;
	v62 =	vld [tilespmem:s15+$0xC920]  }
0x8f: {  	v2 =	vmax.f32 v2, $0.0e+00;
	v5 =	vadd.f32 v59, v7  }
0x90: {  	v63 =	vmax.f32 v8, $0.0e+00;
	v2 =	vmul.f32 v2, v58;
	v3 =	vadd.f32 v6, v3  }
0x91: {  	v4 =	vmul.f32 v63, v60;
	v5 =	vmax.f32 v5, $0.0e+00  }
0x92: {  	[tilespmem:s15+$0xDD30] =	vst v2;
	v2 =	vmul.f32 v5, v61;
	v3 =	vmax.f32 v3, $0.0e+00  }
0x93: {  	s12 =	sadd.s32 $0x1, s12;
	[tilespmem:s15+$0xDD00] =	vst v4;
	v3 =	vmul.f32 v3, v62  }
0x94: {  	p0 =	sne.s32 s12, $0x7D;
	[tilespmem:s15+$0xDD10] =	vst v2  }
.Ltmp2:
0x95: {  	[tilespmem:s15+$0xDD20] =	vst v3;
	(pc) =	sbr.rel @p0 .LBB2_4-.Ltmp2, $4  }
0x96: {  	[spmem:s2] =	stream.indirect.scatter.add.f32 [tilespmem:s21], [sflag:$0x4], $0x40, s26, s29, $0xb8;
	[tilespmem:$0xF100] =	vst v63  }
0x97: {  	_ =	swait.ge [sflag:s22], $0x1400  }
0x98: {  	[sflag:s22] =	ssyncset.done $0x0  }
0x99: {  	[sflag:s22] =	ssyncadd.s32 $0xFFFFEC00  }
0x9a: {  	s11 =	stileid.u32  }
0x9b: {  	[bflag:$0x0] =	sbarrier.arrive $0xFFFF;
	s11 =	sshll.u32 s11, $0x6  }
0x9c: {  	s12 =	rddreg [dreg:$0x5];
	s11 =	sor.u32 $0x1C04, s11  }
0x9d: {  	[hbm:s12], [sflag:s11] =	dma.local [spmem:s25], $0x1400  }
0x9e: {  	_ =	swait.ge [sflag:s22], $0x1400  }
0x9f: {  	s4 =	sadd.s32 $0x1, s4;
	s16 =	rddreg [dreg:$0x6]  }
0xa0: {  	p0 =	sne.s32 s4, s16  }
.Ltmp3:
0xa1: {  	_ = 	snop;
	(pc) =	sbr.rel @p0 .LBB2_1-.Ltmp3, $3  }
0xa2: {  	_ =	sdelay $0x1  }
0xa3: {  	[sflag:s22] =	ssyncset.done $0x0  }
0xa4: {  	[sflag:s22] =	ssyncadd.s32 $0xFFFFEC00  }
0xa5: {  	_ =	sfence.sel $0x180000  }
0xa6: {  	[bflag:$0x0] =	sbarrier.arrive $0xFFFF  }
0xa7: {  	_ =	strace $0x90000047  }
0xa8: {  	s0 =	stileid.u32;
	[bflag:$0x2] =	sbarrier.arrive $0xFFFF  }
0xa9: {  	p0 =	sne.s32 s0, $0x0;
	s0 =	rddreg [dreg:$0x3]  }
0xaa: {  	s0 =	sadd.s32 @!p0 $0x100000, s0  }
0xab: {  	[sflag:s0] =	ssyncadd.tile.s32 @!p0 $0x1;
	_ =	shalt  }
.Lfunc_end2:
_tile_overlayer_lowered:
.L_overlay_start_2:
0xac: {  	(tag) =	ssettag $0x2  }
0xad: {  	s0 =	rddreg [dreg:$0x0];
	s2 =	stileid.u32  }
0xae: {  	s1 =	rddreg [dreg:$0x1];
	p0 =	sne.s32 s2, $0x0  }
0xaf: {  	s3 =	rddreg [dreg:$0x2];
	[bflag:$0x3] =	sbarrier.arrive $0xFFFF;
	s2 =	simm.s32 @!p0 $0x1C04  }
0xb0: {  	[timem:s3], [sflag:s2] =	dma.local @!p0 [hbm:s0], s1  }
0xb1: {  	s0 =	simm.s32 @!p0 $0x4  }
0xb2: {  	_ =	swait.ge @!p0 [sflag:s0], s1  }
0xb3: {  	s1 =	ssub.s32 @!p0 $0x0, s1;
	[sflag:s0] =	ssyncset.done @!p0 $0x0  }
0xb4: {  	[sflag:s0] =	ssyncadd.s32 @!p0 s1  }
0xb5: {  	[bflag:$0x3] =	sbarrier.arrive $0xFFFF  }
0xb6: {  	_ =	shalt  }

</sc_bundles>
